<compile_context>
chip_gen: v7x
topology: tpu7x:2x2x1
jax: 0.10.2.dev20260603
libtpu: 0.0.44.dev20260713+nightly
codegen_flags: <defaults>
</compile_context>

<pallas_src>
import functools

import jax
import jax.numpy as jnp
from jax import lax
from jax.experimental import pallas as pl
from jax.experimental.pallas import tpu as pltpu
from jax.experimental.pallas import tpu_sc as plsc

N_NODES = 10000
N_EDGES = 320000
D_IN = 128
D_HID = 16

NC = 2
NS = 16
NW = NC * NS
CH = 125
NCH = 80
E_PER_W = NCH * CH
NBUF = 8
NOUT = NCH // NBUF
N_PAD = 10240
ZR = N_PAD // NS
PK = N_PAD // 8
PKV = N_NODES // 8


def _project_kernel(x_ref, w_ref, o_ref):
    for j in range(8):
        o_ref[pl.ds(0, PKV), 16 * j:16 * (j + 1)] = jnp.dot(
            x_ref[j::8, :], w_ref[...], preferred_element_type=jnp.float32)
    o_ref[pl.ds(PKV, PK - PKV), :] = jnp.zeros((PK - PKV, 128), jnp.float32)


def _mlp_kernel(y_ref, p0_ref, p1_ref, w2_ref, b1_ref, b2_ref, s_ref, o_ref):
    s = s_ref[0, 0]
    h = s * y_ref[...] + (p0_ref[...] + p1_ref[...]) + b1_ref[...]
    h = jnp.maximum(h[:PKV, :], 0.0)
    h = jnp.dot(h, w2_ref[...], preferred_element_type=jnp.float32) + b2_ref[...]
    o_ref[...] = jnp.maximum(h, 0.0)


@functools.partial(
    pl.kernel,
    out_type=(jax.ShapeDtypeStruct((N_PAD, D_HID), jnp.float32),
              jax.ShapeDtypeStruct((N_PAD, D_HID), jnp.float32)),
    mesh=plsc.VectorSubcoreMesh(core_axis_name="c", subcore_axis_name="s"),
    scratch_types=[
        pltpu.VMEM((NCH, CH), jnp.int32),
        pltpu.VMEM((NCH, CH), jnp.int32),
        pltpu.VMEM((NBUF, CH, D_HID), jnp.float32),
        pltpu.VMEM((ZR, D_HID), jnp.float32),
        pltpu.VMEM_SHARED((N_PAD, D_HID), jnp.float32),
        pltpu.SemaphoreType.DMA((NBUF,)),
    ],
    compiler_params=pltpu.CompilerParams(use_tc_tiling_on_sc=False),
)
def _sc_aggregate(y_hbm, edges_hbm, zeros_hbm, p0_hbm, p1_hbm,
                  src_v, dst_v, rows_v, stage_v, acc, sems):
    cid = lax.axis_index("c")
    sid = lax.axis_index("s")
    wid = cid * NS + sid

    pltpu.async_copy(edges_hbm.at[0, wid], src_v, sems.at[0])
    pltpu.async_copy(edges_hbm.at[1, wid], dst_v, sems.at[1])

    pltpu.sync_copy(zeros_hbm, stage_v)
    pltpu.sync_copy(stage_v, acc.at[pl.ds(sid * ZR, ZR)])

    pltpu.make_async_copy(edges_hbm.at[0, wid], src_v, sems.at[0]).wait()
    pltpu.make_async_copy(edges_hbm.at[1, wid], dst_v, sems.at[1]).wait()

    for b in range(NBUF):
        pltpu.async_copy(y_hbm.at[src_v.at[b]], rows_v.at[b], sems.at[b])
    plsc.subcore_barrier()

    def body(g, carry):
        for b in range(NBUF):
            c = g * NBUF + b
            pltpu.make_async_copy(
                y_hbm.at[src_v.at[c]], rows_v.at[b], sems.at[b]).wait()
            pltpu.sync_copy(rows_v.at[b], acc.at[dst_v.at[c]], add=True)

            @pl.when(g < NOUT - 1)
            def _():
                pltpu.async_copy(
                    y_hbm.at[src_v.at[c + NBUF]], rows_v.at[b], sems.at[b])

        return carry

    lax.fori_loop(0, NOUT, body, 0)

    plsc.subcore_barrier()
    pltpu.sync_copy(acc.at[pl.ds(sid * ZR, ZR)], stage_v)

    @pl.when(cid == 0)
    def _():
        pltpu.sync_copy(stage_v, p0_hbm.at[pl.ds(sid * ZR, ZR)])

    @pl.when(cid == 1)
    def _():
        pltpu.sync_copy(stage_v, p1_hbm.at[pl.ds(sid * ZR, ZR)])


def kernel(x, edge_index, W1, b1, W2, b2, eps):
    f32 = jnp.float32
    eye8 = jnp.eye(8, dtype=f32)

    y8 = pl.pallas_call(
        _project_kernel,
        out_shape=jax.ShapeDtypeStruct((PK, 128), f32),
    )(x, W1)

    e4 = edge_index.reshape(2, NW, NCH, CH)
    p0, p1 = _sc_aggregate(y8.reshape(N_PAD, D_HID), e4,
                           jnp.zeros((ZR, D_HID), f32))

    scale = (1.0 + eps).reshape(1, 1)
    out8 = pl.pallas_call(
        _mlp_kernel,
        out_shape=jax.ShapeDtypeStruct((PKV, 128), f32),
    )(y8, p0.reshape(PK, 128), p1.reshape(PK, 128),
      jnp.kron(eye8, W2), jnp.tile(b1, 8).reshape(1, 128),
      jnp.tile(b2, 8).reshape(1, 128), scale)
    return out8.reshape(N_NODES, D_HID)

# --- scband reference (transcript-rebuilt; emitter-appended) ---
"""Pipeline reference for scband-sub-complex-low-conv-6227702579780 (READ-ONLY COPY).

The authoritative reference and input builder live on the scoring server;
editing this copy changes nothing except your own understanding.
"""

import jax, jax.numpy as jnp
import numpy as np

N, E, D, H = 10000, 320000, 128, 16

def setup_inputs(seed: int = 0) -> dict:
    key = jax.random.key(seed)
    ks = jax.random.split(key, 6)
    x = jax.random.normal(ks[0], (N, D), dtype=jnp.float32)
    edge_index = jax.random.randint(ks[1], (2, E), 0, N, dtype=jnp.int32)
    W1 = jax.random.normal(ks[2], (D, H), dtype=jnp.float32) * (1.0 / np.sqrt(D))
    b1 = jnp.zeros((H,), dtype=jnp.float32)
    W2 = jax.random.normal(ks[3], (H, H), dtype=jnp.float32) * (1.0 / np.sqrt(H))
    b2 = jnp.zeros((H,), dtype=jnp.float32)
    eps = jnp.zeros((), dtype=jnp.float32)  # GINConv train_eps initial value
    return {"x": x, "edge_index": edge_index, "W1": W1, "b1": b1, "W2": W2, "b2": b2, "eps": eps}

def reference(x, edge_index, W1, b1, W2, b2, eps):
    # GINConv: out = MLP((1 + eps) * x_i + sum_{j in N(i)} x_j)
    src = edge_index[0]
    dst = edge_index[1]
    # gather source-node features, scatter-add into destination nodes
    agg = jnp.zeros_like(x).at[dst].add(x[src])
    h = (1.0 + eps) * x + agg
    # MLP: Linear(D, H) -> ReLU -> Linear(H, H) -> ReLU (no batch norm)
    h = jax.nn.relu(h @ W1 + b1)
    h = jax.nn.relu(h @ W2 + b2)
    return h

if __name__ == "__main__":
    import jax
    _d = setup_inputs()
    print(jax.jit(kernel)(*tuple(_d.values())))

</pallas_src>

<mosaic_0001>
#map = affine_map<(d0, d1) -> (0, 0)>
#map1 = affine_map<(d0, d1) -> (0, 0, 0, 0)>
module attributes {stable_mosaic.version = 14 : i64} {
  func.func @_sc_aggregate(%arg0: i32, %arg1: i32, %arg2: memref<10240x16xf32, #tpu.memory_space<hbm>>, %arg3: memref<2x32x80x125xi32, #tpu.memory_space<hbm>>, %arg4: memref<640x16xf32, #tpu.memory_space<hbm>>, %arg5: memref<10240x16xf32, #tpu.memory_space<hbm>>, %arg6: memref<10240x16xf32, #tpu.memory_space<hbm>>, %arg7: memref<80x125xi32, #tpu.memory_space<vmem>>, %arg8: memref<80x125xi32, #tpu.memory_space<vmem>>, %arg9: memref<8x125x16xf32, #tpu.memory_space<vmem>>, %arg10: memref<640x16xf32, #tpu.memory_space<vmem>>, %arg11: memref<10240x16xf32, #tpu.memory_space<vmem_shared>>, %arg12: memref<8x!tpu.dma_semaphore, #tpu.memory_space<semaphore_mem>>) attributes {dimension_semantics = [#tpu.dimension_semantics<core_parallel>, #tpu.dimension_semantics<subcore_parallel>], iteration_bounds = array<i64: 2, 16>, scalar_prefetch = 0 : i64, scratch_operands = 6 : i64, tpu.core_type = #tpu.core_type<sc_vector_subcore>, window_params = [{transform_indices = #map}, {transform_indices = #map1}, {transform_indices = #map}, {transform_indices = #map}, {transform_indices = #map}]} {
    %mul3A = arith.constant 16 : i32
    %mul3A_0 = arith.muli %arg0, %mul3A : i32
    %add3A = arith.addi %mul3A_0, %arg1 : i32
    %dma_start3A = arith.constant 0 : i32
    %dma_start3A_1 = arith.constant 0 : i32
    %dma_start3A_2 = arith.constant 0 : i32
    %dma_start3A_3 = arith.constant 0 : i32
    %dma_start3A_4 = tpu.memref_slice %arg3[%dma_start3A, %add3A, %dma_start3A_2, %dma_start3A_3] : memref<2x32x80x125xi32, #tpu.memory_space<hbm>> -> memref<1x1x80x125xi32, #tpu.memory_space<hbm>>
    %dma_start3A_5 = tpu.memref_squeeze %dma_start3A_4 : memref<1x1x80x125xi32, #tpu.memory_space<hbm>> -> memref<80x125xi32, #tpu.memory_space<hbm>>
    %dma_start3A_6 = tpu.memref_slice %arg12[%dma_start3A_1] : memref<8x!tpu.dma_semaphore, #tpu.memory_space<semaphore_mem>> -> memref<1x!tpu.dma_semaphore, #tpu.memory_space<semaphore_mem>>
    %dma_start3A_7 = tpu.memref_squeeze %dma_start3A_6 : memref<1x!tpu.dma_semaphore, #tpu.memory_space<semaphore_mem>> -> memref<!tpu.dma_semaphore, #tpu.memory_space<semaphore_mem>>
    %dma_start3A_8 = arith.constant 0 : i32
    %dma_start3A_9 = arith.constant 0 : i32
    %dma_start3A_10 = tpu.memref_slice %arg3[%dma_start3A, %add3A, %dma_start3A_8, %dma_start3A_9] : memref<2x32x80x125xi32, #tpu.memory_space<hbm>> -> memref<1x1x80x125xi32, #tpu.memory_space<hbm>>
    %dma_start3A_11 = tpu.memref_squeeze %dma_start3A_10 : memref<1x1x80x125xi32, #tpu.memory_space<hbm>> -> memref<80x125xi32, #tpu.memory_space<hbm>>
    tpu.enqueue_dma source(%dma_start3A_11 : memref<80x125xi32, #tpu.memory_space<hbm>>) target(%arg7 : memref<80x125xi32, #tpu.memory_space<vmem>>) target_semaphore(%dma_start3A_7 : memref<!tpu.dma_semaphore, #tpu.memory_space<semaphore_mem>>)
    %dma_start3A_12 = arith.constant 1 : i32
    %dma_start3A_13 = arith.constant 1 : i32
    %dma_start3A_14 = arith.constant 0 : i32
    %dma_start3A_15 = arith.constant 0 : i32
    %dma_start3A_16 = tpu.memref_slice %arg3[%dma_start3A_12, %add3A, %dma_start3A_14, %dma_start3A_15] : memref<2x32x80x125xi32, #tpu.memory_space<hbm>> -> memref<1x1x80x125xi32, #tpu.memory_space<hbm>>
    %dma_start3A_17 = tpu.memref_squeeze %dma_start3A_16 : memref<1x1x80x125xi32, #tpu.memory_space<hbm>> -> memref<80x125xi32, #tpu.memory_space<hbm>>
    %dma_start3A_18 = tpu.memref_slice %arg12[%dma_start3A_13] : memref<8x!tpu.dma_semaphore, #tpu.memory_space<semaphore_mem>> -> memref<1x!tpu.dma_semaphore, #tpu.memory_space<semaphore_mem>>
    %dma_start3A_19 = tpu.memref_squeeze %dma_start3A_18 : memref<1x!tpu.dma_semaphore, #tpu.memory_space<semaphore_mem>> -> memref<!tpu.dma_semaphore, #tpu.memory_space<semaphore_mem>>
    %dma_start3A_20 = arith.constant 0 : i32
    %dma_start3A_21 = arith.constant 0 : i32
    %dma_start3A_22 = tpu.memref_slice %arg3[%dma_start3A_12, %add3A, %dma_start3A_20, %dma_start3A_21] : memref<2x32x80x125xi32, #tpu.memory_space<hbm>> -> memref<1x1x80x125xi32, #tpu.memory_space<hbm>>
    %dma_start3A_23 = tpu.memref_squeeze %dma_start3A_22 : memref<1x1x80x125xi32, #tpu.memory_space<hbm>> -> memref<80x125xi32, #tpu.memory_space<hbm>>
    tpu.enqueue_dma source(%dma_start3A_23 : memref<80x125xi32, #tpu.memory_space<hbm>>) target(%arg8 : memref<80x125xi32, #tpu.memory_space<vmem>>) target_semaphore(%dma_start3A_19 : memref<!tpu.dma_semaphore, #tpu.memory_space<semaphore_mem>>)
    "tpu.region"() ({
      %run_scoped3A = tpu.sem_alloc : memref<!tpu.dma_semaphore, #tpu.memory_space<semaphore_mem>>
      tpu.enqueue_dma source(%arg4 : memref<640x16xf32, #tpu.memory_space<hbm>>) target(%arg10 : memref<640x16xf32, #tpu.memory_space<vmem>>) target_semaphore(%run_scoped3A : memref<!tpu.dma_semaphore, #tpu.memory_space<semaphore_mem>>)
      tpu.wait_dma2 semaphore(%run_scoped3A : memref<!tpu.dma_semaphore, #tpu.memory_space<semaphore_mem>>) src(%arg4 : memref<640x16xf32, #tpu.memory_space<hbm>>) dst(%arg10 : memref<640x16xf32, #tpu.memory_space<vmem>>)
      tpu.yield
    }) : () -> ()
    %mul3A_24 = arith.constant 640 : i32
    %mul3A_25 = arith.muli %arg1, %mul3A_24 : i32
    "tpu.region"() ({
      %run_scoped3A = tpu.sem_alloc : memref<!tpu.dma_semaphore, #tpu.memory_space<semaphore_mem>>
      %dma_start3A_184 = arith.constant 0 : i32
      %dma_start3A_185 = tpu.memref_slice %arg11[%mul3A_25, %dma_start3A_184] : memref<10240x16xf32, #tpu.memory_space<vmem_shared>> -> memref<640x16xf32, #tpu.memory_space<vmem_shared>>
      %dma_start3A_186 = arith.constant 0 : i32
      %dma_start3A_187 = tpu.memref_slice %arg11[%mul3A_25, %dma_start3A_186] : memref<10240x16xf32, #tpu.memory_space<vmem_shared>> -> memref<640x16xf32, #tpu.memory_space<vmem_shared>>
      tpu.enqueue_dma source(%arg10 : memref<640x16xf32, #tpu.memory_space<vmem>>) target(%dma_start3A_187 : memref<640x16xf32, #tpu.memory_space<vmem_shared>>) target_semaphore(%run_scoped3A : memref<!tpu.dma_semaphore, #tpu.memory_space<semaphore_mem>>)
      %dma_wait3A_188 = arith.constant 0 : i32
      %dma_wait3A_189 = tpu.memref_slice %arg11[%mul3A_25, %dma_wait3A_188] : memref<10240x16xf32, #tpu.memory_space<vmem_shared>> -> memref<640x16xf32, #tpu.memory_space<vmem_shared>>
      %dma_wait3A_190 = arith.constant 0 : i32
      %dma_wait3A_191 = tpu.memref_slice %arg11[%mul3A_25, %dma_wait3A_190] : memref<10240x16xf32, #tpu.memory_space<vmem_shared>> -> memref<640x16xf32, #tpu.memory_space<vmem_shared>>
      tpu.wait_dma2 semaphore(%run_scoped3A : memref<!tpu.dma_semaphore, #tpu.memory_space<semaphore_mem>>) src(%arg10 : memref<640x16xf32, #tpu.memory_space<vmem>>) dst(%dma_wait3A_191 : memref<640x16xf32, #tpu.memory_space<vmem_shared>>)
      tpu.yield
    }) : () -> ()
    %dma_wait3A = arith.constant 0 : i32
    %dma_wait3A_26 = arith.constant 0 : i32
    %dma_wait3A_27 = arith.constant 0 : i32
    %dma_wait3A_28 = arith.constant 0 : i32
    %dma_wait3A_29 = tpu.memref_slice %arg3[%dma_wait3A, %add3A, %dma_wait3A_27, %dma_wait3A_28] : memref<2x32x80x125xi32, #tpu.memory_space<hbm>> -> memref<1x1x80x125xi32, #tpu.memory_space<hbm>>
    %dma_wait3A_30 = tpu.memref_squeeze %dma_wait3A_29 : memref<1x1x80x125xi32, #tpu.memory_space<hbm>> -> memref<80x125xi32, #tpu.memory_space<hbm>>
    %dma_wait3A_31 = tpu.memref_slice %arg12[%dma_wait3A_26] : memref<8x!tpu.dma_semaphore, #tpu.memory_space<semaphore_mem>> -> memref<1x!tpu.dma_semaphore, #tpu.memory_space<semaphore_mem>>
    %dma_wait3A_32 = tpu.memref_squeeze %dma_wait3A_31 : memref<1x!tpu.dma_semaphore, #tpu.memory_space<semaphore_mem>> -> memref<!tpu.dma_semaphore, #tpu.memory_space<semaphore_mem>>
    %dma_wait3A_33 = arith.constant 0 : i32
    %dma_wait3A_34 = arith.constant 0 : i32
    %dma_wait3A_35 = tpu.memref_slice %arg3[%dma_wait3A, %add3A, %dma_wait3A_33, %dma_wait3A_34] : memref<2x32x80x125xi32, #tpu.memory_space<hbm>> -> memref<1x1x80x125xi32, #tpu.memory_space<hbm>>
    %dma_wait3A_36 = tpu.memref_squeeze %dma_wait3A_35 : memref<1x1x80x125xi32, #tpu.memory_space<hbm>> -> memref<80x125xi32, #tpu.memory_space<hbm>>
    tpu.wait_dma2 semaphore(%dma_wait3A_32 : memref<!tpu.dma_semaphore, #tpu.memory_space<semaphore_mem>>) src(%dma_wait3A_36 : memref<80x125xi32, #tpu.memory_space<hbm>>) dst(%arg7 : memref<80x125xi32, #tpu.memory_space<vmem>>)
    %dma_wait3A_37 = arith.constant 1 : i32
    %dma_wait3A_38 = arith.constant 1 : i32
    %dma_wait3A_39 = arith.constant 0 : i32
    %dma_wait3A_40 = arith.constant 0 : i32
    %dma_wait3A_41 = tpu.memref_slice %arg3[%dma_wait3A_37, %add3A, %dma_wait3A_39, %dma_wait3A_40] : memref<2x32x80x125xi32, #tpu.memory_space<hbm>> -> memref<1x1x80x125xi32, #tpu.memory_space<hbm>>
    %dma_wait3A_42 = tpu.memref_squeeze %dma_wait3A_41 : memref<1x1x80x125xi32, #tpu.memory_space<hbm>> -> memref<80x125xi32, #tpu.memory_space<hbm>>
    %dma_wait3A_43 = tpu.memref_slice %arg12[%dma_wait3A_38] : memref<8x!tpu.dma_semaphore, #tpu.memory_space<semaphore_mem>> -> memref<1x!tpu.dma_semaphore, #tpu.memory_space<semaphore_mem>>
    %dma_wait3A_44 = tpu.memref_squeeze %dma_wait3A_43 : memref<1x!tpu.dma_semaphore, #tpu.memory_space<semaphore_mem>> -> memref<!tpu.dma_semaphore, #tpu.memory_space<semaphore_mem>>
    %dma_wait3A_45 = arith.constant 0 : i32
    %dma_wait3A_46 = arith.constant 0 : i32
    %dma_wait3A_47 = tpu.memref_slice %arg3[%dma_wait3A_37, %add3A, %dma_wait3A_45, %dma_wait3A_46] : memref<2x32x80x125xi32, #tpu.memory_space<hbm>> -> memref<1x1x80x125xi32, #tpu.memory_space<hbm>>
    %dma_wait3A_48 = tpu.memref_squeeze %dma_wait3A_47 : memref<1x1x80x125xi32, #tpu.memory_space<hbm>> -> memref<80x125xi32, #tpu.memory_space<hbm>>
    tpu.wait_dma2 semaphore(%dma_wait3A_44 : memref<!tpu.dma_semaphore, #tpu.memory_space<semaphore_mem>>) src(%dma_wait3A_48 : memref<80x125xi32, #tpu.memory_space<hbm>>) dst(%arg8 : memref<80x125xi32, #tpu.memory_space<vmem>>)
    %dma_start3A_49 = arith.constant 0 : i32
    %dma_start3A_50 = arith.constant 0 : i32
    %dma_start3A_51 = arith.constant 0 : i32
    %dma_start3A_52 = arith.constant 0 : i32
    %dma_start3A_53 = arith.constant 0 : i32
    %dma_start3A_54 = tpu.memref_slice %arg9[%dma_start3A_50, %dma_start3A_52, %dma_start3A_53] : memref<8x125x16xf32, #tpu.memory_space<vmem>> -> memref<1x125x16xf32, #tpu.memory_space<vmem>>
    %dma_start3A_55 = tpu.memref_squeeze %dma_start3A_54 : memref<1x125x16xf32, #tpu.memory_space<vmem>> -> memref<125x16xf32, #tpu.memory_space<vmem>>
    %dma_start3A_56 = arith.constant 0 : i32
    %dma_start3A_57 = tpu.memref_slice %arg7[%dma_start3A_49, %dma_start3A_56] : memref<80x125xi32, #tpu.memory_space<vmem>> -> memref<1x125xi32, #tpu.memory_space<vmem>>
    %dma_start3A_58 = tpu.memref_squeeze %dma_start3A_57 : memref<1x125xi32, #tpu.memory_space<vmem>> -> memref<125xi32, #tpu.memory_space<vmem>>
    %dma_start3A_59 = arith.constant 0 : i32
    %dma_start3A_60 = arith.constant 0 : i32
    %dma_start3A_61 = tpu.memref_slice %arg2[%dma_start3A_59, %dma_start3A_60] : memref<10240x16xf32, #tpu.memory_space<hbm>> -> memref<10240x16xf32, #tpu.memory_space<hbm>>
    %dma_start3A_62 = tpu.memref_slice %arg12[%dma_start3A_51] : memref<8x!tpu.dma_semaphore, #tpu.memory_space<semaphore_mem>> -> memref<1x!tpu.dma_semaphore, #tpu.memory_space<semaphore_mem>>
    %dma_start3A_63 = tpu.memref_squeeze %dma_start3A_62 : memref<1x!tpu.dma_semaphore, #tpu.memory_space<semaphore_mem>> -> memref<!tpu.dma_semaphore, #tpu.memory_space<semaphore_mem>>
    tpu.enqueue_indirect_dma source(%dma_start3A_61 : memref<10240x16xf32, #tpu.memory_space<hbm>>) target(%dma_start3A_55 : memref<125x16xf32, #tpu.memory_space<vmem>>) offsets(%dma_start3A_58 : memref<125xi32, #tpu.memory_space<vmem>>) semaphore(%dma_start3A_63 : memref<!tpu.dma_semaphore, #tpu.memory_space<semaphore_mem>>)
    %dma_start3A_64 = arith.constant 1 : i32
    %dma_start3A_65 = arith.constant 1 : i32
    %dma_start3A_66 = arith.constant 1 : i32
    %dma_start3A_67 = arith.constant 0 : i32
    %dma_start3A_68 = arith.constant 0 : i32
    %dma_start3A_69 = tpu.memref_slice %arg9[%dma_start3A_65, %dma_start3A_67, %dma_start3A_68] : memref<8x125x16xf32, #tpu.memory_space<vmem>> -> memref<1x125x16xf32, #tpu.memory_space<vmem>>
    %dma_start3A_70 = tpu.memref_squeeze %dma_start3A_69 : memref<1x125x16xf32, #tpu.memory_space<vmem>> -> memref<125x16xf32, #tpu.memory_space<vmem>>
    %dma_start3A_71 = arith.constant 0 : i32
    %dma_start3A_72 = tpu.memref_slice %arg7[%dma_start3A_64, %dma_start3A_71] : memref<80x125xi32, #tpu.memory_space<vmem>> -> memref<1x125xi32, #tpu.memory_space<vmem>>
    %dma_start3A_73 = tpu.memref_squeeze %dma_start3A_72 : memref<1x125xi32, #tpu.memory_space<vmem>> -> memref<125xi32, #tpu.memory_space<vmem>>
    %dma_start3A_74 = arith.constant 0 : i32
    %dma_start3A_75 = arith.constant 0 : i32
    %dma_start3A_76 = tpu.memref_slice %arg2[%dma_start3A_74, %dma_start3A_75] : memref<10240x16xf32, #tpu.memory_space<hbm>> -> memref<10240x16xf32, #tpu.memory_space<hbm>>
    %dma_start3A_77 = tpu.memref_slice %arg12[%dma_start3A_66] : memref<8x!tpu.dma_semaphore, #tpu.memory_space<semaphore_mem>> -> memref<1x!tpu.dma_semaphore, #tpu.memory_space<semaphore_mem>>
    %dma_start3A_78 = tpu.memref_squeeze %dma_start3A_77 : memref<1x!tpu.dma_semaphore, #tpu.memory_space<semaphore_mem>> -> memref<!tpu.dma_semaphore, #tpu.memory_space<semaphore_mem>>
    tpu.enqueue_indirect_dma source(%dma_start3A_76 : memref<10240x16xf32, #tpu.memory_space<hbm>>) target(%dma_start3A_70 : memref<125x16xf32, #tpu.memory_space<vmem>>) offsets(%dma_start3A_73 : memref<125xi32, #tpu.memory_space<vmem>>) semaphore(%dma_start3A_78 : memref<!tpu.dma_semaphore, #tpu.memory_space<semaphore_mem>>)
    %dma_start3A_79 = arith.constant 2 : i32
    %dma_start3A_80 = arith.constant 2 : i32
    %dma_start3A_81 = arith.constant 2 : i32
    %dma_start3A_82 = arith.constant 0 : i32
    %dma_start3A_83 = arith.constant 0 : i32
    %dma_start3A_84 = tpu.memref_slice %arg9[%dma_start3A_80, %dma_start3A_82, %dma_start3A_83] : memref<8x125x16xf32, #tpu.memory_space<vmem>> -> memref<1x125x16xf32, #tpu.memory_space<vmem>>
    %dma_start3A_85 = tpu.memref_squeeze %dma_start3A_84 : memref<1x125x16xf32, #tpu.memory_space<vmem>> -> memref<125x16xf32, #tpu.memory_space<vmem>>
    %dma_start3A_86 = arith.constant 0 : i32
    %dma_start3A_87 = tpu.memref_slice %arg7[%dma_start3A_79, %dma_start3A_86] : memref<80x125xi32, #tpu.memory_space<vmem>> -> memref<1x125xi32, #tpu.memory_space<vmem>>
    %dma_start3A_88 = tpu.memref_squeeze %dma_start3A_87 : memref<1x125xi32, #tpu.memory_space<vmem>> -> memref<125xi32, #tpu.memory_space<vmem>>
    %dma_start3A_89 = arith.constant 0 : i32
    %dma_start3A_90 = arith.constant 0 : i32
    %dma_start3A_91 = tpu.memref_slice %arg2[%dma_start3A_89, %dma_start3A_90] : memref<10240x16xf32, #tpu.memory_space<hbm>> -> memref<10240x16xf32, #tpu.memory_space<hbm>>
    %dma_start3A_92 = tpu.memref_slice %arg12[%dma_start3A_81] : memref<8x!tpu.dma_semaphore, #tpu.memory_space<semaphore_mem>> -> memref<1x!tpu.dma_semaphore, #tpu.memory_space<semaphore_mem>>
    %dma_start3A_93 = tpu.memref_squeeze %dma_start3A_92 : memref<1x!tpu.dma_semaphore, #tpu.memory_space<semaphore_mem>> -> memref<!tpu.dma_semaphore, #tpu.memory_space<semaphore_mem>>
    tpu.enqueue_indirect_dma source(%dma_start3A_91 : memref<10240x16xf32, #tpu.memory_space<hbm>>) target(%dma_start3A_85 : memref<125x16xf32, #tpu.memory_space<vmem>>) offsets(%dma_start3A_88 : memref<125xi32, #tpu.memory_space<vmem>>) semaphore(%dma_start3A_93 : memref<!tpu.dma_semaphore, #tpu.memory_space<semaphore_mem>>)
    %dma_start3A_94 = arith.constant 3 : i32
    %dma_start3A_95 = arith.constant 3 : i32
    %dma_start3A_96 = arith.constant 3 : i32
    %dma_start3A_97 = arith.constant 0 : i32
    %dma_start3A_98 = arith.constant 0 : i32
    %dma_start3A_99 = tpu.memref_slice %arg9[%dma_start3A_95, %dma_start3A_97, %dma_start3A_98] : memref<8x125x16xf32, #tpu.memory_space<vmem>> -> memref<1x125x16xf32, #tpu.memory_space<vmem>>
    %dma_start3A_100 = tpu.memref_squeeze %dma_start3A_99 : memref<1x125x16xf32, #tpu.memory_space<vmem>> -> memref<125x16xf32, #tpu.memory_space<vmem>>
    %dma_start3A_101 = arith.constant 0 : i32
    %dma_start3A_102 = tpu.memref_slice %arg7[%dma_start3A_94, %dma_start3A_101] : memref<80x125xi32, #tpu.memory_space<vmem>> -> memref<1x125xi32, #tpu.memory_space<vmem>>
    %dma_start3A_103 = tpu.memref_squeeze %dma_start3A_102 : memref<1x125xi32, #tpu.memory_space<vmem>> -> memref<125xi32, #tpu.memory_space<vmem>>
    %dma_start3A_104 = arith.constant 0 : i32
    %dma_start3A_105 = arith.constant 0 : i32
    %dma_start3A_106 = tpu.memref_slice %arg2[%dma_start3A_104, %dma_start3A_105] : memref<10240x16xf32, #tpu.memory_space<hbm>> -> memref<10240x16xf32, #tpu.memory_space<hbm>>
    %dma_start3A_107 = tpu.memref_slice %arg12[%dma_start3A_96] : memref<8x!tpu.dma_semaphore, #tpu.memory_space<semaphore_mem>> -> memref<1x!tpu.dma_semaphore, #tpu.memory_space<semaphore_mem>>
    %dma_start3A_108 = tpu.memref_squeeze %dma_start3A_107 : memref<1x!tpu.dma_semaphore, #tpu.memory_space<semaphore_mem>> -> memref<!tpu.dma_semaphore, #tpu.memory_space<semaphore_mem>>
    tpu.enqueue_indirect_dma source(%dma_start3A_106 : memref<10240x16xf32, #tpu.memory_space<hbm>>) target(%dma_start3A_100 : memref<125x16xf32, #tpu.memory_space<vmem>>) offsets(%dma_start3A_103 : memref<125xi32, #tpu.memory_space<vmem>>) semaphore(%dma_start3A_108 : memref<!tpu.dma_semaphore, #tpu.memory_space<semaphore_mem>>)
    %dma_start3A_109 = arith.constant 4 : i32
    %dma_start3A_110 = arith.constant 4 : i32
    %dma_start3A_111 = arith.constant 4 : i32
    %dma_start3A_112 = arith.constant 0 : i32
    %dma_start3A_113 = arith.constant 0 : i32
    %dma_start3A_114 = tpu.memref_slice %arg9[%dma_start3A_110, %dma_start3A_112, %dma_start3A_113] : memref<8x125x16xf32, #tpu.memory_space<vmem>> -> memref<1x125x16xf32, #tpu.memory_space<vmem>>
    %dma_start3A_115 = tpu.memref_squeeze %dma_start3A_114 : memref<1x125x16xf32, #tpu.memory_space<vmem>> -> memref<125x16xf32, #tpu.memory_space<vmem>>
    %dma_start3A_116 = arith.constant 0 : i32
    %dma_start3A_117 = tpu.memref_slice %arg7[%dma_start3A_109, %dma_start3A_116] : memref<80x125xi32, #tpu.memory_space<vmem>> -> memref<1x125xi32, #tpu.memory_space<vmem>>
    %dma_start3A_118 = tpu.memref_squeeze %dma_start3A_117 : memref<1x125xi32, #tpu.memory_space<vmem>> -> memref<125xi32, #tpu.memory_space<vmem>>
    %dma_start3A_119 = arith.constant 0 : i32
    %dma_start3A_120 = arith.constant 0 : i32
    %dma_start3A_121 = tpu.memref_slice %arg2[%dma_start3A_119, %dma_start3A_120] : memref<10240x16xf32, #tpu.memory_space<hbm>> -> memref<10240x16xf32, #tpu.memory_space<hbm>>
    %dma_start3A_122 = tpu.memref_slice %arg12[%dma_start3A_111] : memref<8x!tpu.dma_semaphore, #tpu.memory_space<semaphore_mem>> -> memref<1x!tpu.dma_semaphore, #tpu.memory_space<semaphore_mem>>
    %dma_start3A_123 = tpu.memref_squeeze %dma_start3A_122 : memref<1x!tpu.dma_semaphore, #tpu.memory_space<semaphore_mem>> -> memref<!tpu.dma_semaphore, #tpu.memory_space<semaphore_mem>>
    tpu.enqueue_indirect_dma source(%dma_start3A_121 : memref<10240x16xf32, #tpu.memory_space<hbm>>) target(%dma_start3A_115 : memref<125x16xf32, #tpu.memory_space<vmem>>) offsets(%dma_start3A_118 : memref<125xi32, #tpu.memory_space<vmem>>) semaphore(%dma_start3A_123 : memref<!tpu.dma_semaphore, #tpu.memory_space<semaphore_mem>>)
    %dma_start3A_124 = arith.constant 5 : i32
    %dma_start3A_125 = arith.constant 5 : i32
    %dma_start3A_126 = arith.constant 5 : i32
    %dma_start3A_127 = arith.constant 0 : i32
    %dma_start3A_128 = arith.constant 0 : i32
    %dma_start3A_129 = tpu.memref_slice %arg9[%dma_start3A_125, %dma_start3A_127, %dma_start3A_128] : memref<8x125x16xf32, #tpu.memory_space<vmem>> -> memref<1x125x16xf32, #tpu.memory_space<vmem>>
    %dma_start3A_130 = tpu.memref_squeeze %dma_start3A_129 : memref<1x125x16xf32, #tpu.memory_space<vmem>> -> memref<125x16xf32, #tpu.memory_space<vmem>>
    %dma_start3A_131 = arith.constant 0 : i32
    %dma_start3A_132 = tpu.memref_slice %arg7[%dma_start3A_124, %dma_start3A_131] : memref<80x125xi32, #tpu.memory_space<vmem>> -> memref<1x125xi32, #tpu.memory_space<vmem>>
    %dma_start3A_133 = tpu.memref_squeeze %dma_start3A_132 : memref<1x125xi32, #tpu.memory_space<vmem>> -> memref<125xi32, #tpu.memory_space<vmem>>
    %dma_start3A_134 = arith.constant 0 : i32
    %dma_start3A_135 = arith.constant 0 : i32
    %dma_start3A_136 = tpu.memref_slice %arg2[%dma_start3A_134, %dma_start3A_135] : memref<10240x16xf32, #tpu.memory_space<hbm>> -> memref<10240x16xf32, #tpu.memory_space<hbm>>
    %dma_start3A_137 = tpu.memref_slice %arg12[%dma_start3A_126] : memref<8x!tpu.dma_semaphore, #tpu.memory_space<semaphore_mem>> -> memref<1x!tpu.dma_semaphore, #tpu.memory_space<semaphore_mem>>
    %dma_start3A_138 = tpu.memref_squeeze %dma_start3A_137 : memref<1x!tpu.dma_semaphore, #tpu.memory_space<semaphore_mem>> -> memref<!tpu.dma_semaphore, #tpu.memory_space<semaphore_mem>>
    tpu.enqueue_indirect_dma source(%dma_start3A_136 : memref<10240x16xf32, #tpu.memory_space<hbm>>) target(%dma_start3A_130 : memref<125x16xf32, #tpu.memory_space<vmem>>) offsets(%dma_start3A_133 : memref<125xi32, #tpu.memory_space<vmem>>) semaphore(%dma_start3A_138 : memref<!tpu.dma_semaphore, #tpu.memory_space<semaphore_mem>>)
    %dma_start3A_139 = arith.constant 6 : i32
    %dma_start3A_140 = arith.constant 6 : i32
    %dma_start3A_141 = arith.constant 6 : i32
    %dma_start3A_142 = arith.constant 0 : i32
    %dma_start3A_143 = arith.constant 0 : i32
    %dma_start3A_144 = tpu.memref_slice %arg9[%dma_start3A_140, %dma_start3A_142, %dma_start3A_143] : memref<8x125x16xf32, #tpu.memory_space<vmem>> -> memref<1x125x16xf32, #tpu.memory_space<vmem>>
    %dma_start3A_145 = tpu.memref_squeeze %dma_start3A_144 : memref<1x125x16xf32, #tpu.memory_space<vmem>> -> memref<125x16xf32, #tpu.memory_space<vmem>>
    %dma_start3A_146 = arith.constant 0 : i32
    %dma_start3A_147 = tpu.memref_slice %arg7[%dma_start3A_139, %dma_start3A_146] : memref<80x125xi32, #tpu.memory_space<vmem>> -> memref<1x125xi32, #tpu.memory_space<vmem>>
    %dma_start3A_148 = tpu.memref_squeeze %dma_start3A_147 : memref<1x125xi32, #tpu.memory_space<vmem>> -> memref<125xi32, #tpu.memory_space<vmem>>
    %dma_start3A_149 = arith.constant 0 : i32
    %dma_start3A_150 = arith.constant 0 : i32
    %dma_start3A_151 = tpu.memref_slice %arg2[%dma_start3A_149, %dma_start3A_150] : memref<10240x16xf32, #tpu.memory_space<hbm>> -> memref<10240x16xf32, #tpu.memory_space<hbm>>
    %dma_start3A_152 = tpu.memref_slice %arg12[%dma_start3A_141] : memref<8x!tpu.dma_semaphore, #tpu.memory_space<semaphore_mem>> -> memref<1x!tpu.dma_semaphore, #tpu.memory_space<semaphore_mem>>
    %dma_start3A_153 = tpu.memref_squeeze %dma_start3A_152 : memref<1x!tpu.dma_semaphore, #tpu.memory_space<semaphore_mem>> -> memref<!tpu.dma_semaphore, #tpu.memory_space<semaphore_mem>>
    tpu.enqueue_indirect_dma source(%dma_start3A_151 : memref<10240x16xf32, #tpu.memory_space<hbm>>) target(%dma_start3A_145 : memref<125x16xf32, #tpu.memory_space<vmem>>) offsets(%dma_start3A_148 : memref<125xi32, #tpu.memory_space<vmem>>) semaphore(%dma_start3A_153 : memref<!tpu.dma_semaphore, #tpu.memory_space<semaphore_mem>>)
    %dma_start3A_154 = arith.constant 7 : i32
    %dma_start3A_155 = arith.constant 7 : i32
    %dma_start3A_156 = arith.constant 7 : i32
    %dma_start3A_157 = arith.constant 0 : i32
    %dma_start3A_158 = arith.constant 0 : i32
    %dma_start3A_159 = tpu.memref_slice %arg9[%dma_start3A_155, %dma_start3A_157, %dma_start3A_158] : memref<8x125x16xf32, #tpu.memory_space<vmem>> -> memref<1x125x16xf32, #tpu.memory_space<vmem>>
    %dma_start3A_160 = tpu.memref_squeeze %dma_start3A_159 : memref<1x125x16xf32, #tpu.memory_space<vmem>> -> memref<125x16xf32, #tpu.memory_space<vmem>>
    %dma_start3A_161 = arith.constant 0 : i32
    %dma_start3A_162 = tpu.memref_slice %arg7[%dma_start3A_154, %dma_start3A_161] : memref<80x125xi32, #tpu.memory_space<vmem>> -> memref<1x125xi32, #tpu.memory_space<vmem>>
    %dma_start3A_163 = tpu.memref_squeeze %dma_start3A_162 : memref<1x125xi32, #tpu.memory_space<vmem>> -> memref<125xi32, #tpu.memory_space<vmem>>
    %dma_start3A_164 = arith.constant 0 : i32
    %dma_start3A_165 = arith.constant 0 : i32
    %dma_start3A_166 = tpu.memref_slice %arg2[%dma_start3A_164, %dma_start3A_165] : memref<10240x16xf32, #tpu.memory_space<hbm>> -> memref<10240x16xf32, #tpu.memory_space<hbm>>
    %dma_start3A_167 = tpu.memref_slice %arg12[%dma_start3A_156] : memref<8x!tpu.dma_semaphore, #tpu.memory_space<semaphore_mem>> -> memref<1x!tpu.dma_semaphore, #tpu.memory_space<semaphore_mem>>
    %dma_start3A_168 = tpu.memref_squeeze %dma_start3A_167 : memref<1x!tpu.dma_semaphore, #tpu.memory_space<semaphore_mem>> -> memref<!tpu.dma_semaphore, #tpu.memory_space<semaphore_mem>>
    tpu.enqueue_indirect_dma source(%dma_start3A_166 : memref<10240x16xf32, #tpu.memory_space<hbm>>) target(%dma_start3A_160 : memref<125x16xf32, #tpu.memory_space<vmem>>) offsets(%dma_start3A_163 : memref<125xi32, #tpu.memory_space<vmem>>) semaphore(%dma_start3A_168 : memref<!tpu.dma_semaphore, #tpu.memory_space<semaphore_mem>>)
    %barrier3A = arith.constant 0 : index
    tpu.barrier barrier_id(%barrier3A)
    %scan3A = arith.constant 0 : i32
    %scan3A_169 = arith.constant 0 : i32
    %scan3A_170 = arith.constant 10 : i32
    %scan3A_171 = arith.addi %scan3A_169, %scan3A_170 : i32
    %scan3A_172 = arith.constant 1 : i32
    scf.for %scan3A_184 = %scan3A_169 to %scan3A_171 step %scan3A_172  : i32 {
      %mul3A_185 = arith.constant 8 : i32
      %mul3A_186 = arith.muli %scan3A_184, %mul3A_185 : i32
      %add3A_187 = arith.constant 0 : i32
      %add3A_188 = arith.addi %mul3A_186, %add3A_187 : i32
      %dma_wait3A_189 = arith.constant 0 : i32
      %dma_wait3A_190 = arith.constant 0 : i32
      %dma_wait3A_191 = arith.constant 0 : i32
      %dma_wait3A_192 = arith.constant 0 : i32
      %dma_wait3A_193 = tpu.memref_slice %arg9[%dma_wait3A_189, %dma_wait3A_191, %dma_wait3A_192] : memref<8x125x16xf32, #tpu.memory_space<vmem>> -> memref<1x125x16xf32, #tpu.memory_space<vmem>>
      %dma_wait3A_194 = tpu.memref_squeeze %dma_wait3A_193 : memref<1x125x16xf32, #tpu.memory_space<vmem>> -> memref<125x16xf32, #tpu.memory_space<vmem>>
      %dma_wait3A_195 = arith.constant 0 : i32
      %dma_wait3A_196 = tpu.memref_slice %arg7[%add3A_188, %dma_wait3A_195] : memref<80x125xi32, #tpu.memory_space<vmem>> -> memref<1x125xi32, #tpu.memory_space<vmem>>
      %dma_wait3A_197 = tpu.memref_squeeze %dma_wait3A_196 : memref<1x125xi32, #tpu.memory_space<vmem>> -> memref<125xi32, #tpu.memory_space<vmem>>
      %dma_wait3A_198 = arith.constant 0 : i32
      %dma_wait3A_199 = arith.constant 0 : i32
      %dma_wait3A_200 = tpu.memref_slice %arg2[%dma_wait3A_198, %dma_wait3A_199] : memref<10240x16xf32, #tpu.memory_space<hbm>> -> memref<10240x16xf32, #tpu.memory_space<hbm>>
      %dma_wait3A_201 = tpu.memref_slice %arg12[%dma_wait3A_190] : memref<8x!tpu.dma_semaphore, #tpu.memory_space<semaphore_mem>> -> memref<1x!tpu.dma_semaphore, #tpu.memory_space<semaphore_mem>>
      %dma_wait3A_202 = tpu.memref_squeeze %dma_wait3A_201 : memref<1x!tpu.dma_semaphore, #tpu.memory_space<semaphore_mem>> -> memref<!tpu.dma_semaphore, #tpu.memory_space<semaphore_mem>>
      tpu.wait_indirect_dma semaphore(%dma_wait3A_202 : memref<!tpu.dma_semaphore, #tpu.memory_space<semaphore_mem>>) src(%dma_wait3A_200 : memref<10240x16xf32, #tpu.memory_space<hbm>>) dst(%dma_wait3A_194 : memref<125x16xf32, #tpu.memory_space<vmem>>)
      %run_scoped3A = arith.constant 0 : i32
      "tpu.region"() ({
        %run_scoped3A_375 = tpu.sem_alloc : memref<!tpu.dma_semaphore, #tpu.memory_space<semaphore_mem>>
        %dma_start3A_376 = arith.constant 0 : i32
        %dma_start3A_377 = arith.constant 0 : i32
        %dma_start3A_378 = tpu.memref_slice %arg9[%run_scoped3A, %dma_start3A_376, %dma_start3A_377] : memref<8x125x16xf32, #tpu.memory_space<vmem>> -> memref<1x125x16xf32, #tpu.memory_space<vmem>>
        %dma_start3A_379 = tpu.memref_squeeze %dma_start3A_378 : memref<1x125x16xf32, #tpu.memory_space<vmem>> -> memref<125x16xf32, #tpu.memory_space<vmem>>
        %dma_start3A_380 = arith.constant 0 : i32
        %dma_start3A_381 = tpu.memref_slice %arg8[%add3A_188, %dma_start3A_380] : memref<80x125xi32, #tpu.memory_space<vmem>> -> memref<1x125xi32, #tpu.memory_space<vmem>>
        %dma_start3A_382 = tpu.memref_squeeze %dma_start3A_381 : memref<1x125xi32, #tpu.memory_space<vmem>> -> memref<125xi32, #tpu.memory_space<vmem>>
        %dma_start3A_383 = arith.constant 0 : i32
        %dma_start3A_384 = arith.constant 0 : i32
        %dma_start3A_385 = tpu.memref_slice %arg11[%dma_start3A_383, %dma_start3A_384] : memref<10240x16xf32, #tpu.memory_space<vmem_shared>> -> memref<10240x16xf32, #tpu.memory_space<vmem_shared>>
        tpu.enqueue_indirect_dma source(%dma_start3A_379 : memref<125x16xf32, #tpu.memory_space<vmem>>) target(%dma_start3A_385 : memref<10240x16xf32, #tpu.memory_space<vmem_shared>>) offsets(%dma_start3A_382 : memref<125xi32, #tpu.memory_space<vmem>>) semaphore(%run_scoped3A_375 : memref<!tpu.dma_semaphore, #tpu.memory_space<semaphore_mem>>) {add = true}
        %dma_wait3A_386 = arith.constant 0 : i32
        %dma_wait3A_387 = arith.constant 0 : i32
        %dma_wait3A_388 = tpu.memref_slice %arg9[%run_scoped3A, %dma_wait3A_386, %dma_wait3A_387] : memref<8x125x16xf32, #tpu.memory_space<vmem>> -> memref<1x125x16xf32, #tpu.memory_space<vmem>>
        %dma_wait3A_389 = tpu.memref_squeeze %dma_wait3A_388 : memref<1x125x16xf32, #tpu.memory_space<vmem>> -> memref<125x16xf32, #tpu.memory_space<vmem>>
        %dma_wait3A_390 = arith.constant 0 : i32
        %dma_wait3A_391 = tpu.memref_slice %arg8[%add3A_188, %dma_wait3A_390] : memref<80x125xi32, #tpu.memory_space<vmem>> -> memref<1x125xi32, #tpu.memory_space<vmem>>
        %dma_wait3A_392 = tpu.memref_squeeze %dma_wait3A_391 : memref<1x125xi32, #tpu.memory_space<vmem>> -> memref<125xi32, #tpu.memory_space<vmem>>
        %dma_wait3A_393 = arith.constant 0 : i32
        %dma_wait3A_394 = arith.constant 0 : i32
        %dma_wait3A_395 = tpu.memref_slice %arg11[%dma_wait3A_393, %dma_wait3A_394] : memref<10240x16xf32, #tpu.memory_space<vmem_shared>> -> memref<10240x16xf32, #tpu.memory_space<vmem_shared>>
        tpu.wait_indirect_dma semaphore(%run_scoped3A_375 : memref<!tpu.dma_semaphore, #tpu.memory_space<semaphore_mem>>) src(%dma_wait3A_389 : memref<125x16xf32, #tpu.memory_space<vmem>>) dst(%dma_wait3A_395 : memref<10240x16xf32, #tpu.memory_space<vmem_shared>>)
        tpu.yield
      }) : () -> ()
      %lt3A = arith.constant 9 : i32
      %lt3A_203 = arith.cmpi slt, %scan3A_184, %lt3A : i32
      %convert_element_type3A_204 = arith.extui %lt3A_203 : i1 to i32
      %cond3A_205 = arith.constant 0 : i32
      %cond3A_206 = arith.cmpi ne, %convert_element_type3A_204, %cond3A_205 : i32
      scf.if %cond3A_206 {
        %add3A_375 = arith.constant 8 : i32
        %add3A_376 = arith.addi %add3A_188, %add3A_375 : i32
        %dma_start3A_377 = arith.constant 0 : i32
        %dma_start3A_378 = arith.constant 0 : i32
        %dma_start3A_379 = arith.constant 0 : i32
        %dma_start3A_380 = arith.constant 0 : i32
        %dma_start3A_381 = tpu.memref_slice %arg9[%dma_start3A_377, %dma_start3A_379, %dma_start3A_380] : memref<8x125x16xf32, #tpu.memory_space<vmem>> -> memref<1x125x16xf32, #tpu.memory_space<vmem>>
        %dma_start3A_382 = tpu.memref_squeeze %dma_start3A_381 : memref<1x125x16xf32, #tpu.memory_space<vmem>> -> memref<125x16xf32, #tpu.memory_space<vmem>>
        %dma_start3A_383 = arith.constant 0 : i32
        %dma_start3A_384 = tpu.memref_slice %arg7[%add3A_376, %dma_start3A_383] : memref<80x125xi32, #tpu.memory_space<vmem>> -> memref<1x125xi32, #tpu.memory_space<vmem>>
        %dma_start3A_385 = tpu.memref_squeeze %dma_start3A_384 : memref<1x125xi32, #tpu.memory_space<vmem>> -> memref<125xi32, #tpu.memory_space<vmem>>
        %dma_start3A_386 = arith.constant 0 : i32
        %dma_start3A_387 = arith.constant 0 : i32
        %dma_start3A_388 = tpu.memref_slice %arg2[%dma_start3A_386, %dma_start3A_387] : memref<10240x16xf32, #tpu.memory_space<hbm>> -> memref<10240x16xf32, #tpu.memory_space<hbm>>
        %dma_start3A_389 = tpu.memref_slice %arg12[%dma_start3A_378] : memref<8x!tpu.dma_semaphore, #tpu.memory_space<semaphore_mem>> -> memref<1x!tpu.dma_semaphore, #tpu.memory_space<semaphore_mem>>
        %dma_start3A_390 = tpu.memref_squeeze %dma_start3A_389 : memref<1x!tpu.dma_semaphore, #tpu.memory_space<semaphore_mem>> -> memref<!tpu.dma_semaphore, #tpu.memory_space<semaphore_mem>>
        tpu.enqueue_indirect_dma source(%dma_start3A_388 : memref<10240x16xf32, #tpu.memory_space<hbm>>) target(%dma_start3A_382 : memref<125x16xf32, #tpu.memory_space<vmem>>) offsets(%dma_start3A_385 : memref<125xi32, #tpu.memory_space<vmem>>) semaphore(%dma_start3A_390 : memref<!tpu.dma_semaphore, #tpu.memory_space<semaphore_mem>>)
      } else {
      }
      %mul3A_207 = arith.constant 8 : i32
      %mul3A_208 = arith.muli %scan3A_184, %mul3A_207 : i32
      %add3A_209 = arith.constant 1 : i32
      %add3A_210 = arith.addi %mul3A_208, %add3A_209 : i32
      %dma_wait3A_211 = arith.constant 1 : i32
      %dma_wait3A_212 = arith.constant 1 : i32
      %dma_wait3A_213 = arith.constant 0 : i32
      %dma_wait3A_214 = arith.constant 0 : i32
      %dma_wait3A_215 = tpu.memref_slice %arg9[%dma_wait3A_211, %dma_wait3A_213, %dma_wait3A_214] : memref<8x125x16xf32, #tpu.memory_space<vmem>> -> memref<1x125x16xf32, #tpu.memory_space<vmem>>
      %dma_wait3A_216 = tpu.memref_squeeze %dma_wait3A_215 : memref<1x125x16xf32, #tpu.memory_space<vmem>> -> memref<125x16xf32, #tpu.memory_space<vmem>>
      %dma_wait3A_217 = arith.constant 0 : i32
      %dma_wait3A_218 = tpu.memref_slice %arg7[%add3A_210, %dma_wait3A_217] : memref<80x125xi32, #tpu.memory_space<vmem>> -> memref<1x125xi32, #tpu.memory_space<vmem>>
      %dma_wait3A_219 = tpu.memref_squeeze %dma_wait3A_218 : memref<1x125xi32, #tpu.memory_space<vmem>> -> memref<125xi32, #tpu.memory_space<vmem>>
      %dma_wait3A_220 = arith.constant 0 : i32
      %dma_wait3A_221 = arith.constant 0 : i32
      %dma_wait3A_222 = tpu.memref_slice %arg2[%dma_wait3A_220, %dma_wait3A_221] : memref<10240x16xf32, #tpu.memory_space<hbm>> -> memref<10240x16xf32, #tpu.memory_space<hbm>>
      %dma_wait3A_223 = tpu.memref_slice %arg12[%dma_wait3A_212] : memref<8x!tpu.dma_semaphore, #tpu.memory_space<semaphore_mem>> -> memref<1x!tpu.dma_semaphore, #tpu.memory_space<semaphore_mem>>
      %dma_wait3A_224 = tpu.memref_squeeze %dma_wait3A_223 : memref<1x!tpu.dma_semaphore, #tpu.memory_space<semaphore_mem>> -> memref<!tpu.dma_semaphore, #tpu.memory_space<semaphore_mem>>
      tpu.wait_indirect_dma semaphore(%dma_wait3A_224 : memref<!tpu.dma_semaphore, #tpu.memory_space<semaphore_mem>>) src(%dma_wait3A_222 : memref<10240x16xf32, #tpu.memory_space<hbm>>) dst(%dma_wait3A_216 : memref<125x16xf32, #tpu.memory_space<vmem>>)
      %run_scoped3A_225 = arith.constant 1 : i32
      "tpu.region"() ({
        %run_scoped3A_375 = tpu.sem_alloc : memref<!tpu.dma_semaphore, #tpu.memory_space<semaphore_mem>>
        %dma_start3A_376 = arith.constant 0 : i32
        %dma_start3A_377 = arith.constant 0 : i32
        %dma_start3A_378 = tpu.memref_slice %arg9[%run_scoped3A_225, %dma_start3A_376, %dma_start3A_377] : memref<8x125x16xf32, #tpu.memory_space<vmem>> -> memref<1x125x16xf32, #tpu.memory_space<vmem>>
        %dma_start3A_379 = tpu.memref_squeeze %dma_start3A_378 : memref<1x125x16xf32, #tpu.memory_space<vmem>> -> memref<125x16xf32, #tpu.memory_space<vmem>>
        %dma_start3A_380 = arith.constant 0 : i32
        %dma_start3A_381 = tpu.memref_slice %arg8[%add3A_210, %dma_start3A_380] : memref<80x125xi32, #tpu.memory_space<vmem>> -> memref<1x125xi32, #tpu.memory_space<vmem>>
        %dma_start3A_382 = tpu.memref_squeeze %dma_start3A_381 : memref<1x125xi32, #tpu.memory_space<vmem>> -> memref<125xi32, #tpu.memory_space<vmem>>
        %dma_start3A_383 = arith.constant 0 : i32
        %dma_start3A_384 = arith.constant 0 : i32
        %dma_start3A_385 = tpu.memref_slice %arg11[%dma_start3A_383, %dma_start3A_384] : memref<10240x16xf32, #tpu.memory_space<vmem_shared>> -> memref<10240x16xf32, #tpu.memory_space<vmem_shared>>
        tpu.enqueue_indirect_dma source(%dma_start3A_379 : memref<125x16xf32, #tpu.memory_space<vmem>>) target(%dma_start3A_385 : memref<10240x16xf32, #tpu.memory_space<vmem_shared>>) offsets(%dma_start3A_382 : memref<125xi32, #tpu.memory_space<vmem>>) semaphore(%run_scoped3A_375 : memref<!tpu.dma_semaphore, #tpu.memory_space<semaphore_mem>>) {add = true}
        %dma_wait3A_386 = arith.constant 0 : i32
        %dma_wait3A_387 = arith.constant 0 : i32
        %dma_wait3A_388 = tpu.memref_slice %arg9[%run_scoped3A_225, %dma_wait3A_386, %dma_wait3A_387] : memref<8x125x16xf32, #tpu.memory_space<vmem>> -> memref<1x125x16xf32, #tpu.memory_space<vmem>>
        %dma_wait3A_389 = tpu.memref_squeeze %dma_wait3A_388 : memref<1x125x16xf32, #tpu.memory_space<vmem>> -> memref<125x16xf32, #tpu.memory_space<vmem>>
        %dma_wait3A_390 = arith.constant 0 : i32
        %dma_wait3A_391 = tpu.memref_slice %arg8[%add3A_210, %dma_wait3A_390] : memref<80x125xi32, #tpu.memory_space<vmem>> -> memref<1x125xi32, #tpu.memory_space<vmem>>
        %dma_wait3A_392 = tpu.memref_squeeze %dma_wait3A_391 : memref<1x125xi32, #tpu.memory_space<vmem>> -> memref<125xi32, #tpu.memory_space<vmem>>
        %dma_wait3A_393 = arith.constant 0 : i32
        %dma_wait3A_394 = arith.constant 0 : i32
        %dma_wait3A_395 = tpu.memref_slice %arg11[%dma_wait3A_393, %dma_wait3A_394] : memref<10240x16xf32, #tpu.memory_space<vmem_shared>> -> memref<10240x16xf32, #tpu.memory_space<vmem_shared>>
        tpu.wait_indirect_dma semaphore(%run_scoped3A_375 : memref<!tpu.dma_semaphore, #tpu.memory_space<semaphore_mem>>) src(%dma_wait3A_389 : memref<125x16xf32, #tpu.memory_space<vmem>>) dst(%dma_wait3A_395 : memref<10240x16xf32, #tpu.memory_space<vmem_shared>>)
        tpu.yield
      }) : () -> ()
      %lt3A_226 = arith.constant 9 : i32
      %lt3A_227 = arith.cmpi slt, %scan3A_184, %lt3A_226 : i32
      %convert_element_type3A_228 = arith.extui %lt3A_227 : i1 to i32
      %cond3A_229 = arith.constant 0 : i32
      %cond3A_230 = arith.cmpi ne, %convert_element_type3A_228, %cond3A_229 : i32
      scf.if %cond3A_230 {
        %add3A_375 = arith.constant 8 : i32
        %add3A_376 = arith.addi %add3A_210, %add3A_375 : i32
        %dma_start3A_377 = arith.constant 1 : i32
        %dma_start3A_378 = arith.constant 1 : i32
        %dma_start3A_379 = arith.constant 0 : i32
        %dma_start3A_380 = arith.constant 0 : i32
        %dma_start3A_381 = tpu.memref_slice %arg9[%dma_start3A_377, %dma_start3A_379, %dma_start3A_380] : memref<8x125x16xf32, #tpu.memory_space<vmem>> -> memref<1x125x16xf32, #tpu.memory_space<vmem>>
        %dma_start3A_382 = tpu.memref_squeeze %dma_start3A_381 : memref<1x125x16xf32, #tpu.memory_space<vmem>> -> memref<125x16xf32, #tpu.memory_space<vmem>>
        %dma_start3A_383 = arith.constant 0 : i32
        %dma_start3A_384 = tpu.memref_slice %arg7[%add3A_376, %dma_start3A_383] : memref<80x125xi32, #tpu.memory_space<vmem>> -> memref<1x125xi32, #tpu.memory_space<vmem>>
        %dma_start3A_385 = tpu.memref_squeeze %dma_start3A_384 : memref<1x125xi32, #tpu.memory_space<vmem>> -> memref<125xi32, #tpu.memory_space<vmem>>
        %dma_start3A_386 = arith.constant 0 : i32
        %dma_start3A_387 = arith.constant 0 : i32
        %dma_start3A_388 = tpu.memref_slice %arg2[%dma_start3A_386, %dma_start3A_387] : memref<10240x16xf32, #tpu.memory_space<hbm>> -> memref<10240x16xf32, #tpu.memory_space<hbm>>
        %dma_start3A_389 = tpu.memref_slice %arg12[%dma_start3A_378] : memref<8x!tpu.dma_semaphore, #tpu.memory_space<semaphore_mem>> -> memref<1x!tpu.dma_semaphore, #tpu.memory_space<semaphore_mem>>
        %dma_start3A_390 = tpu.memref_squeeze %dma_start3A_389 : memref<1x!tpu.dma_semaphore, #tpu.memory_space<semaphore_mem>> -> memref<!tpu.dma_semaphore, #tpu.memory_space<semaphore_mem>>
        tpu.enqueue_indirect_dma source(%dma_start3A_388 : memref<10240x16xf32, #tpu.memory_space<hbm>>) target(%dma_start3A_382 : memref<125x16xf32, #tpu.memory_space<vmem>>) offsets(%dma_start3A_385 : memref<125xi32, #tpu.memory_space<vmem>>) semaphore(%dma_start3A_390 : memref<!tpu.dma_semaphore, #tpu.memory_space<semaphore_mem>>)
      } else {
      }
      %mul3A_231 = arith.constant 8 : i32
      %mul3A_232 = arith.muli %scan3A_184, %mul3A_231 : i32
      %add3A_233 = arith.constant 2 : i32
      %add3A_234 = arith.addi %mul3A_232, %add3A_233 : i32
      %dma_wait3A_235 = arith.constant 2 : i32
      %dma_wait3A_236 = arith.constant 2 : i32
      %dma_wait3A_237 = arith.constant 0 : i32
      %dma_wait3A_238 = arith.constant 0 : i32
      %dma_wait3A_239 = tpu.memref_slice %arg9[%dma_wait3A_235, %dma_wait3A_237, %dma_wait3A_238] : memref<8x125x16xf32, #tpu.memory_space<vmem>> -> memref<1x125x16xf32, #tpu.memory_space<vmem>>
      %dma_wait3A_240 = tpu.memref_squeeze %dma_wait3A_239 : memref<1x125x16xf32, #tpu.memory_space<vmem>> -> memref<125x16xf32, #tpu.memory_space<vmem>>
      %dma_wait3A_241 = arith.constant 0 : i32
      %dma_wait3A_242 = tpu.memref_slice %arg7[%add3A_234, %dma_wait3A_241] : memref<80x125xi32, #tpu.memory_space<vmem>> -> memref<1x125xi32, #tpu.memory_space<vmem>>
      %dma_wait3A_243 = tpu.memref_squeeze %dma_wait3A_242 : memref<1x125xi32, #tpu.memory_space<vmem>> -> memref<125xi32, #tpu.memory_space<vmem>>
      %dma_wait3A_244 = arith.constant 0 : i32
      %dma_wait3A_245 = arith.constant 0 : i32
      %dma_wait3A_246 = tpu.memref_slice %arg2[%dma_wait3A_244, %dma_wait3A_245] : memref<10240x16xf32, #tpu.memory_space<hbm>> -> memref<10240x16xf32, #tpu.memory_space<hbm>>
      %dma_wait3A_247 = tpu.memref_slice %arg12[%dma_wait3A_236] : memref<8x!tpu.dma_semaphore, #tpu.memory_space<semaphore_mem>> -> memref<1x!tpu.dma_semaphore, #tpu.memory_space<semaphore_mem>>
      %dma_wait3A_248 = tpu.memref_squeeze %dma_wait3A_247 : memref<1x!tpu.dma_semaphore, #tpu.memory_space<semaphore_mem>> -> memref<!tpu.dma_semaphore, #tpu.memory_space<semaphore_mem>>
      tpu.wait_indirect_dma semaphore(%dma_wait3A_248 : memref<!tpu.dma_semaphore, #tpu.memory_space<semaphore_mem>>) src(%dma_wait3A_246 : memref<10240x16xf32, #tpu.memory_space<hbm>>) dst(%dma_wait3A_240 : memref<125x16xf32, #tpu.memory_space<vmem>>)
      %run_scoped3A_249 = arith.constant 2 : i32
      "tpu.region"() ({
        %run_scoped3A_375 = tpu.sem_alloc : memref<!tpu.dma_semaphore, #tpu.memory_space<semaphore_mem>>
        %dma_start3A_376 = arith.constant 0 : i32
        %dma_start3A_377 = arith.constant 0 : i32
        %dma_start3A_378 = tpu.memref_slice %arg9[%run_scoped3A_249, %dma_start3A_376, %dma_start3A_377] : memref<8x125x16xf32, #tpu.memory_space<vmem>> -> memref<1x125x16xf32, #tpu.memory_space<vmem>>
        %dma_start3A_379 = tpu.memref_squeeze %dma_start3A_378 : memref<1x125x16xf32, #tpu.memory_space<vmem>> -> memref<125x16xf32, #tpu.memory_space<vmem>>
        %dma_start3A_380 = arith.constant 0 : i32
        %dma_start3A_381 = tpu.memref_slice %arg8[%add3A_234, %dma_start3A_380] : memref<80x125xi32, #tpu.memory_space<vmem>> -> memref<1x125xi32, #tpu.memory_space<vmem>>
        %dma_start3A_382 = tpu.memref_squeeze %dma_start3A_381 : memref<1x125xi32, #tpu.memory_space<vmem>> -> memref<125xi32, #tpu.memory_space<vmem>>
        %dma_start3A_383 = arith.constant 0 : i32
        %dma_start3A_384 = arith.constant 0 : i32
        %dma_start3A_385 = tpu.memref_slice %arg11[%dma_start3A_383, %dma_start3A_384] : memref<10240x16xf32, #tpu.memory_space<vmem_shared>> -> memref<10240x16xf32, #tpu.memory_space<vmem_shared>>
        tpu.enqueue_indirect_dma source(%dma_start3A_379 : memref<125x16xf32, #tpu.memory_space<vmem>>) target(%dma_start3A_385 : memref<10240x16xf32, #tpu.memory_space<vmem_shared>>) offsets(%dma_start3A_382 : memref<125xi32, #tpu.memory_space<vmem>>) semaphore(%run_scoped3A_375 : memref<!tpu.dma_semaphore, #tpu.memory_space<semaphore_mem>>) {add = true}
        %dma_wait3A_386 = arith.constant 0 : i32
        %dma_wait3A_387 = arith.constant 0 : i32
        %dma_wait3A_388 = tpu.memref_slice %arg9[%run_scoped3A_249, %dma_wait3A_386, %dma_wait3A_387] : memref<8x125x16xf32, #tpu.memory_space<vmem>> -> memref<1x125x16xf32, #tpu.memory_space<vmem>>
        %dma_wait3A_389 = tpu.memref_squeeze %dma_wait3A_388 : memref<1x125x16xf32, #tpu.memory_space<vmem>> -> memref<125x16xf32, #tpu.memory_space<vmem>>
        %dma_wait3A_390 = arith.constant 0 : i32
        %dma_wait3A_391 = tpu.memref_slice %arg8[%add3A_234, %dma_wait3A_390] : memref<80x125xi32, #tpu.memory_space<vmem>> -> memref<1x125xi32, #tpu.memory_space<vmem>>
        %dma_wait3A_392 = tpu.memref_squeeze %dma_wait3A_391 : memref<1x125xi32, #tpu.memory_space<vmem>> -> memref<125xi32, #tpu.memory_space<vmem>>
        %dma_wait3A_393 = arith.constant 0 : i32
        %dma_wait3A_394 = arith.constant 0 : i32
        %dma_wait3A_395 = tpu.memref_slice %arg11[%dma_wait3A_393, %dma_wait3A_394] : memref<10240x16xf32, #tpu.memory_space<vmem_shared>> -> memref<10240x16xf32, #tpu.memory_space<vmem_shared>>
        tpu.wait_indirect_dma semaphore(%run_scoped3A_375 : memref<!tpu.dma_semaphore, #tpu.memory_space<semaphore_mem>>) src(%dma_wait3A_389 : memref<125x16xf32, #tpu.memory_space<vmem>>) dst(%dma_wait3A_395 : memref<10240x16xf32, #tpu.memory_space<vmem_shared>>)
        tpu.yield
      }) : () -> ()
      %lt3A_250 = arith.constant 9 : i32
      %lt3A_251 = arith.cmpi slt, %scan3A_184, %lt3A_250 : i32
      %convert_element_type3A_252 = arith.extui %lt3A_251 : i1 to i32
      %cond3A_253 = arith.constant 0 : i32
      %cond3A_254 = arith.cmpi ne, %convert_element_type3A_252, %cond3A_253 : i32
      scf.if %cond3A_254 {
        %add3A_375 = arith.constant 8 : i32
        %add3A_376 = arith.addi %add3A_234, %add3A_375 : i32
        %dma_start3A_377 = arith.constant 2 : i32
        %dma_start3A_378 = arith.constant 2 : i32
        %dma_start3A_379 = arith.constant 0 : i32
        %dma_start3A_380 = arith.constant 0 : i32
        %dma_start3A_381 = tpu.memref_slice %arg9[%dma_start3A_377, %dma_start3A_379, %dma_start3A_380] : memref<8x125x16xf32, #tpu.memory_space<vmem>> -> memref<1x125x16xf32, #tpu.memory_space<vmem>>
        %dma_start3A_382 = tpu.memref_squeeze %dma_start3A_381 : memref<1x125x16xf32, #tpu.memory_space<vmem>> -> memref<125x16xf32, #tpu.memory_space<vmem>>
        %dma_start3A_383 = arith.constant 0 : i32
        %dma_start3A_384 = tpu.memref_slice %arg7[%add3A_376, %dma_start3A_383] : memref<80x125xi32, #tpu.memory_space<vmem>> -> memref<1x125xi32, #tpu.memory_space<vmem>>
        %dma_start3A_385 = tpu.memref_squeeze %dma_start3A_384 : memref<1x125xi32, #tpu.memory_space<vmem>> -> memref<125xi32, #tpu.memory_space<vmem>>
        %dma_start3A_386 = arith.constant 0 : i32
        %dma_start3A_387 = arith.constant 0 : i32
        %dma_start3A_388 = tpu.memref_slice %arg2[%dma_start3A_386, %dma_start3A_387] : memref<10240x16xf32, #tpu.memory_space<hbm>> -> memref<10240x16xf32, #tpu.memory_space<hbm>>
        %dma_start3A_389 = tpu.memref_slice %arg12[%dma_start3A_378] : memref<8x!tpu.dma_semaphore, #tpu.memory_space<semaphore_mem>> -> memref<1x!tpu.dma_semaphore, #tpu.memory_space<semaphore_mem>>
        %dma_start3A_390 = tpu.memref_squeeze %dma_start3A_389 : memref<1x!tpu.dma_semaphore, #tpu.memory_space<semaphore_mem>> -> memref<!tpu.dma_semaphore, #tpu.memory_space<semaphore_mem>>
        tpu.enqueue_indirect_dma source(%dma_start3A_388 : memref<10240x16xf32, #tpu.memory_space<hbm>>) target(%dma_start3A_382 : memref<125x16xf32, #tpu.memory_space<vmem>>) offsets(%dma_start3A_385 : memref<125xi32, #tpu.memory_space<vmem>>) semaphore(%dma_start3A_390 : memref<!tpu.dma_semaphore, #tpu.memory_space<semaphore_mem>>)
      } else {
      }
      %mul3A_255 = arith.constant 8 : i32
      %mul3A_256 = arith.muli %scan3A_184, %mul3A_255 : i32
      %add3A_257 = arith.constant 3 : i32
      %add3A_258 = arith.addi %mul3A_256, %add3A_257 : i32
      %dma_wait3A_259 = arith.constant 3 : i32
      %dma_wait3A_260 = arith.constant 3 : i32
      %dma_wait3A_261 = arith.constant 0 : i32
      %dma_wait3A_262 = arith.constant 0 : i32
      %dma_wait3A_263 = tpu.memref_slice %arg9[%dma_wait3A_259, %dma_wait3A_261, %dma_wait3A_262] : memref<8x125x16xf32, #tpu.memory_space<vmem>> -> memref<1x125x16xf32, #tpu.memory_space<vmem>>
      %dma_wait3A_264 = tpu.memref_squeeze %dma_wait3A_263 : memref<1x125x16xf32, #tpu.memory_space<vmem>> -> memref<125x16xf32, #tpu.memory_space<vmem>>
      %dma_wait3A_265 = arith.constant 0 : i32
      %dma_wait3A_266 = tpu.memref_slice %arg7[%add3A_258, %dma_wait3A_265] : memref<80x125xi32, #tpu.memory_space<vmem>> -> memref<1x125xi32, #tpu.memory_space<vmem>>
      %dma_wait3A_267 = tpu.memref_squeeze %dma_wait3A_266 : memref<1x125xi32, #tpu.memory_space<vmem>> -> memref<125xi32, #tpu.memory_space<vmem>>
      %dma_wait3A_268 = arith.constant 0 : i32
      %dma_wait3A_269 = arith.constant 0 : i32
      %dma_wait3A_270 = tpu.memref_slice %arg2[%dma_wait3A_268, %dma_wait3A_269] : memref<10240x16xf32, #tpu.memory_space<hbm>> -> memref<10240x16xf32, #tpu.memory_space<hbm>>
      %dma_wait3A_271 = tpu.memref_slice %arg12[%dma_wait3A_260] : memref<8x!tpu.dma_semaphore, #tpu.memory_space<semaphore_mem>> -> memref<1x!tpu.dma_semaphore, #tpu.memory_space<semaphore_mem>>
      %dma_wait3A_272 = tpu.memref_squeeze %dma_wait3A_271 : memref<1x!tpu.dma_semaphore, #tpu.memory_space<semaphore_mem>> -> memref<!tpu.dma_semaphore, #tpu.memory_space<semaphore_mem>>
      tpu.wait_indirect_dma semaphore(%dma_wait3A_272 : memref<!tpu.dma_semaphore, #tpu.memory_space<semaphore_mem>>) src(%dma_wait3A_270 : memref<10240x16xf32, #tpu.memory_space<hbm>>) dst(%dma_wait3A_264 : memref<125x16xf32, #tpu.memory_space<vmem>>)
      %run_scoped3A_273 = arith.constant 3 : i32
      "tpu.region"() ({
        %run_scoped3A_375 = tpu.sem_alloc : memref<!tpu.dma_semaphore, #tpu.memory_space<semaphore_mem>>
        %dma_start3A_376 = arith.constant 0 : i32
        %dma_start3A_377 = arith.constant 0 : i32
        %dma_start3A_378 = tpu.memref_slice %arg9[%run_scoped3A_273, %dma_start3A_376, %dma_start3A_377] : memref<8x125x16xf32, #tpu.memory_space<vmem>> -> memref<1x125x16xf32, #tpu.memory_space<vmem>>
        %dma_start3A_379 = tpu.memref_squeeze %dma_start3A_378 : memref<1x125x16xf32, #tpu.memory_space<vmem>> -> memref<125x16xf32, #tpu.memory_space<vmem>>
        %dma_start3A_380 = arith.constant 0 : i32
        %dma_start3A_381 = tpu.memref_slice %arg8[%add3A_258, %dma_start3A_380] : memref<80x125xi32, #tpu.memory_space<vmem>> -> memref<1x125xi32, #tpu.memory_space<vmem>>
        %dma_start3A_382 = tpu.memref_squeeze %dma_start3A_381 : memref<1x125xi32, #tpu.memory_space<vmem>> -> memref<125xi32, #tpu.memory_space<vmem>>
        %dma_start3A_383 = arith.constant 0 : i32
        %dma_start3A_384 = arith.constant 0 : i32
        %dma_start3A_385 = tpu.memref_slice %arg11[%dma_start3A_383, %dma_start3A_384] : memref<10240x16xf32, #tpu.memory_space<vmem_shared>> -> memref<10240x16xf32, #tpu.memory_space<vmem_shared>>
        tpu.enqueue_indirect_dma source(%dma_start3A_379 : memref<125x16xf32, #tpu.memory_space<vmem>>) target(%dma_start3A_385 : memref<10240x16xf32, #tpu.memory_space<vmem_shared>>) offsets(%dma_start3A_382 : memref<125xi32, #tpu.memory_space<vmem>>) semaphore(%run_scoped3A_375 : memref<!tpu.dma_semaphore, #tpu.memory_space<semaphore_mem>>) {add = true}
        %dma_wait3A_386 = arith.constant 0 : i32
        %dma_wait3A_387 = arith.constant 0 : i32
        %dma_wait3A_388 = tpu.memref_slice %arg9[%run_scoped3A_273, %dma_wait3A_386, %dma_wait3A_387] : memref<8x125x16xf32, #tpu.memory_space<vmem>> -> memref<1x125x16xf32, #tpu.memory_space<vmem>>
        %dma_wait3A_389 = tpu.memref_squeeze %dma_wait3A_388 : memref<1x125x16xf32, #tpu.memory_space<vmem>> -> memref<125x16xf32, #tpu.memory_space<vmem>>
        %dma_wait3A_390 = arith.constant 0 : i32
        %dma_wait3A_391 = tpu.memref_slice %arg8[%add3A_258, %dma_wait3A_390] : memref<80x125xi32, #tpu.memory_space<vmem>> -> memref<1x125xi32, #tpu.memory_space<vmem>>
        %dma_wait3A_392 = tpu.memref_squeeze %dma_wait3A_391 : memref<1x125xi32, #tpu.memory_space<vmem>> -> memref<125xi32, #tpu.memory_space<vmem>>
        %dma_wait3A_393 = arith.constant 0 : i32
        %dma_wait3A_394 = arith.constant 0 : i32
        %dma_wait3A_395 = tpu.memref_slice %arg11[%dma_wait3A_393, %dma_wait3A_394] : memref<10240x16xf32, #tpu.memory_space<vmem_shared>> -> memref<10240x16xf32, #tpu.memory_space<vmem_shared>>
        tpu.wait_indirect_dma semaphore(%run_scoped3A_375 : memref<!tpu.dma_semaphore, #tpu.memory_space<semaphore_mem>>) src(%dma_wait3A_389 : memref<125x16xf32, #tpu.memory_space<vmem>>) dst(%dma_wait3A_395 : memref<10240x16xf32, #tpu.memory_space<vmem_shared>>)
        tpu.yield
      }) : () -> ()
      %lt3A_274 = arith.constant 9 : i32
      %lt3A_275 = arith.cmpi slt, %scan3A_184, %lt3A_274 : i32
      %convert_element_type3A_276 = arith.extui %lt3A_275 : i1 to i32
      %cond3A_277 = arith.constant 0 : i32
      %cond3A_278 = arith.cmpi ne, %convert_element_type3A_276, %cond3A_277 : i32
      scf.if %cond3A_278 {
        %add3A_375 = arith.constant 8 : i32
        %add3A_376 = arith.addi %add3A_258, %add3A_375 : i32
        %dma_start3A_377 = arith.constant 3 : i32
        %dma_start3A_378 = arith.constant 3 : i32
        %dma_start3A_379 = arith.constant 0 : i32
        %dma_start3A_380 = arith.constant 0 : i32
        %dma_start3A_381 = tpu.memref_slice %arg9[%dma_start3A_377, %dma_start3A_379, %dma_start3A_380] : memref<8x125x16xf32, #tpu.memory_space<vmem>> -> memref<1x125x16xf32, #tpu.memory_space<vmem>>
        %dma_start3A_382 = tpu.memref_squeeze %dma_start3A_381 : memref<1x125x16xf32, #tpu.memory_space<vmem>> -> memref<125x16xf32, #tpu.memory_space<vmem>>
        %dma_start3A_383 = arith.constant 0 : i32
        %dma_start3A_384 = tpu.memref_slice %arg7[%add3A_376, %dma_start3A_383] : memref<80x125xi32, #tpu.memory_space<vmem>> -> memref<1x125xi32, #tpu.memory_space<vmem>>
        %dma_start3A_385 = tpu.memref_squeeze %dma_start3A_384 : memref<1x125xi32, #tpu.memory_space<vmem>> -> memref<125xi32, #tpu.memory_space<vmem>>
        %dma_start3A_386 = arith.constant 0 : i32
        %dma_start3A_387 = arith.constant 0 : i32
        %dma_start3A_388 = tpu.memref_slice %arg2[%dma_start3A_386, %dma_start3A_387] : memref<10240x16xf32, #tpu.memory_space<hbm>> -> memref<10240x16xf32, #tpu.memory_space<hbm>>
        %dma_start3A_389 = tpu.memref_slice %arg12[%dma_start3A_378] : memref<8x!tpu.dma_semaphore, #tpu.memory_space<semaphore_mem>> -> memref<1x!tpu.dma_semaphore, #tpu.memory_space<semaphore_mem>>
        %dma_start3A_390 = tpu.memref_squeeze %dma_start3A_389 : memref<1x!tpu.dma_semaphore, #tpu.memory_space<semaphore_mem>> -> memref<!tpu.dma_semaphore, #tpu.memory_space<semaphore_mem>>
        tpu.enqueue_indirect_dma source(%dma_start3A_388 : memref<10240x16xf32, #tpu.memory_space<hbm>>) target(%dma_start3A_382 : memref<125x16xf32, #tpu.memory_space<vmem>>) offsets(%dma_start3A_385 : memref<125xi32, #tpu.memory_space<vmem>>) semaphore(%dma_start3A_390 : memref<!tpu.dma_semaphore, #tpu.memory_space<semaphore_mem>>)
      } else {
      }
      %mul3A_279 = arith.constant 8 : i32
      %mul3A_280 = arith.muli %scan3A_184, %mul3A_279 : i32
      %add3A_281 = arith.constant 4 : i32
      %add3A_282 = arith.addi %mul3A_280, %add3A_281 : i32
      %dma_wait3A_283 = arith.constant 4 : i32
      %dma_wait3A_284 = arith.constant 4 : i32
      %dma_wait3A_285 = arith.constant 0 : i32
      %dma_wait3A_286 = arith.constant 0 : i32
      %dma_wait3A_287 = tpu.memref_slice %arg9[%dma_wait3A_283, %dma_wait3A_285, %dma_wait3A_286] : memref<8x125x16xf32, #tpu.memory_space<vmem>> -> memref<1x125x16xf32, #tpu.memory_space<vmem>>
      %dma_wait3A_288 = tpu.memref_squeeze %dma_wait3A_287 : memref<1x125x16xf32, #tpu.memory_space<vmem>> -> memref<125x16xf32, #tpu.memory_space<vmem>>
      %dma_wait3A_289 = arith.constant 0 : i32
      %dma_wait3A_290 = tpu.memref_slice %arg7[%add3A_282, %dma_wait3A_289] : memref<80x125xi32, #tpu.memory_space<vmem>> -> memref<1x125xi32, #tpu.memory_space<vmem>>
      %dma_wait3A_291 = tpu.memref_squeeze %dma_wait3A_290 : memref<1x125xi32, #tpu.memory_space<vmem>> -> memref<125xi32, #tpu.memory_space<vmem>>
      %dma_wait3A_292 = arith.constant 0 : i32
      %dma_wait3A_293 = arith.constant 0 : i32
      %dma_wait3A_294 = tpu.memref_slice %arg2[%dma_wait3A_292, %dma_wait3A_293] : memref<10240x16xf32, #tpu.memory_space<hbm>> -> memref<10240x16xf32, #tpu.memory_space<hbm>>
      %dma_wait3A_295 = tpu.memref_slice %arg12[%dma_wait3A_284] : memref<8x!tpu.dma_semaphore, #tpu.memory_space<semaphore_mem>> -> memref<1x!tpu.dma_semaphore, #tpu.memory_space<semaphore_mem>>
      %dma_wait3A_296 = tpu.memref_squeeze %dma_wait3A_295 : memref<1x!tpu.dma_semaphore, #tpu.memory_space<semaphore_mem>> -> memref<!tpu.dma_semaphore, #tpu.memory_space<semaphore_mem>>
      tpu.wait_indirect_dma semaphore(%dma_wait3A_296 : memref<!tpu.dma_semaphore, #tpu.memory_space<semaphore_mem>>) src(%dma_wait3A_294 : memref<10240x16xf32, #tpu.memory_space<hbm>>) dst(%dma_wait3A_288 : memref<125x16xf32, #tpu.memory_space<vmem>>)
      %run_scoped3A_297 = arith.constant 4 : i32
      "tpu.region"() ({
        %run_scoped3A_375 = tpu.sem_alloc : memref<!tpu.dma_semaphore, #tpu.memory_space<semaphore_mem>>
        %dma_start3A_376 = arith.constant 0 : i32
        %dma_start3A_377 = arith.constant 0 : i32
        %dma_start3A_378 = tpu.memref_slice %arg9[%run_scoped3A_297, %dma_start3A_376, %dma_start3A_377] : memref<8x125x16xf32, #tpu.memory_space<vmem>> -> memref<1x125x16xf32, #tpu.memory_space<vmem>>
        %dma_start3A_379 = tpu.memref_squeeze %dma_start3A_378 : memref<1x125x16xf32, #tpu.memory_space<vmem>> -> memref<125x16xf32, #tpu.memory_space<vmem>>
        %dma_start3A_380 = arith.constant 0 : i32
        %dma_start3A_381 = tpu.memref_slice %arg8[%add3A_282, %dma_start3A_380] : memref<80x125xi32, #tpu.memory_space<vmem>> -> memref<1x125xi32, #tpu.memory_space<vmem>>
        %dma_start3A_382 = tpu.memref_squeeze %dma_start3A_381 : memref<1x125xi32, #tpu.memory_space<vmem>> -> memref<125xi32, #tpu.memory_space<vmem>>
        %dma_start3A_383 = arith.constant 0 : i32
        %dma_start3A_384 = arith.constant 0 : i32
        %dma_start3A_385 = tpu.memref_slice %arg11[%dma_start3A_383, %dma_start3A_384] : memref<10240x16xf32, #tpu.memory_space<vmem_shared>> -> memref<10240x16xf32, #tpu.memory_space<vmem_shared>>
        tpu.enqueue_indirect_dma source(%dma_start3A_379 : memref<125x16xf32, #tpu.memory_space<vmem>>) target(%dma_start3A_385 : memref<10240x16xf32, #tpu.memory_space<vmem_shared>>) offsets(%dma_start3A_382 : memref<125xi32, #tpu.memory_space<vmem>>) semaphore(%run_scoped3A_375 : memref<!tpu.dma_semaphore, #tpu.memory_space<semaphore_mem>>) {add = true}
        %dma_wait3A_386 = arith.constant 0 : i32
        %dma_wait3A_387 = arith.constant 0 : i32
        %dma_wait3A_388 = tpu.memref_slice %arg9[%run_scoped3A_297, %dma_wait3A_386, %dma_wait3A_387] : memref<8x125x16xf32, #tpu.memory_space<vmem>> -> memref<1x125x16xf32, #tpu.memory_space<vmem>>
        %dma_wait3A_389 = tpu.memref_squeeze %dma_wait3A_388 : memref<1x125x16xf32, #tpu.memory_space<vmem>> -> memref<125x16xf32, #tpu.memory_space<vmem>>
        %dma_wait3A_390 = arith.constant 0 : i32
        %dma_wait3A_391 = tpu.memref_slice %arg8[%add3A_282, %dma_wait3A_390] : memref<80x125xi32, #tpu.memory_space<vmem>> -> memref<1x125xi32, #tpu.memory_space<vmem>>
        %dma_wait3A_392 = tpu.memref_squeeze %dma_wait3A_391 : memref<1x125xi32, #tpu.memory_space<vmem>> -> memref<125xi32, #tpu.memory_space<vmem>>
        %dma_wait3A_393 = arith.constant 0 : i32
        %dma_wait3A_394 = arith.constant 0 : i32
        %dma_wait3A_395 = tpu.memref_slice %arg11[%dma_wait3A_393, %dma_wait3A_394] : memref<10240x16xf32, #tpu.memory_space<vmem_shared>> -> memref<10240x16xf32, #tpu.memory_space<vmem_shared>>
        tpu.wait_indirect_dma semaphore(%run_scoped3A_375 : memref<!tpu.dma_semaphore, #tpu.memory_space<semaphore_mem>>) src(%dma_wait3A_389 : memref<125x16xf32, #tpu.memory_space<vmem>>) dst(%dma_wait3A_395 : memref<10240x16xf32, #tpu.memory_space<vmem_shared>>)
        tpu.yield
      }) : () -> ()
      %lt3A_298 = arith.constant 9 : i32
      %lt3A_299 = arith.cmpi slt, %scan3A_184, %lt3A_298 : i32
      %convert_element_type3A_300 = arith.extui %lt3A_299 : i1 to i32
      %cond3A_301 = arith.constant 0 : i32
      %cond3A_302 = arith.cmpi ne, %convert_element_type3A_300, %cond3A_301 : i32
      scf.if %cond3A_302 {
        %add3A_375 = arith.constant 8 : i32
        %add3A_376 = arith.addi %add3A_282, %add3A_375 : i32
        %dma_start3A_377 = arith.constant 4 : i32
        %dma_start3A_378 = arith.constant 4 : i32
        %dma_start3A_379 = arith.constant 0 : i32
        %dma_start3A_380 = arith.constant 0 : i32
        %dma_start3A_381 = tpu.memref_slice %arg9[%dma_start3A_377, %dma_start3A_379, %dma_start3A_380] : memref<8x125x16xf32, #tpu.memory_space<vmem>> -> memref<1x125x16xf32, #tpu.memory_space<vmem>>
        %dma_start3A_382 = tpu.memref_squeeze %dma_start3A_381 : memref<1x125x16xf32, #tpu.memory_space<vmem>> -> memref<125x16xf32, #tpu.memory_space<vmem>>
        %dma_start3A_383 = arith.constant 0 : i32
        %dma_start3A_384 = tpu.memref_slice %arg7[%add3A_376, %dma_start3A_383] : memref<80x125xi32, #tpu.memory_space<vmem>> -> memref<1x125xi32, #tpu.memory_space<vmem>>
        %dma_start3A_385 = tpu.memref_squeeze %dma_start3A_384 : memref<1x125xi32, #tpu.memory_space<vmem>> -> memref<125xi32, #tpu.memory_space<vmem>>
        %dma_start3A_386 = arith.constant 0 : i32
        %dma_start3A_387 = arith.constant 0 : i32
        %dma_start3A_388 = tpu.memref_slice %arg2[%dma_start3A_386, %dma_start3A_387] : memref<10240x16xf32, #tpu.memory_space<hbm>> -> memref<10240x16xf32, #tpu.memory_space<hbm>>
        %dma_start3A_389 = tpu.memref_slice %arg12[%dma_start3A_378] : memref<8x!tpu.dma_semaphore, #tpu.memory_space<semaphore_mem>> -> memref<1x!tpu.dma_semaphore, #tpu.memory_space<semaphore_mem>>
        %dma_start3A_390 = tpu.memref_squeeze %dma_start3A_389 : memref<1x!tpu.dma_semaphore, #tpu.memory_space<semaphore_mem>> -> memref<!tpu.dma_semaphore, #tpu.memory_space<semaphore_mem>>
        tpu.enqueue_indirect_dma source(%dma_start3A_388 : memref<10240x16xf32, #tpu.memory_space<hbm>>) target(%dma_start3A_382 : memref<125x16xf32, #tpu.memory_space<vmem>>) offsets(%dma_start3A_385 : memref<125xi32, #tpu.memory_space<vmem>>) semaphore(%dma_start3A_390 : memref<!tpu.dma_semaphore, #tpu.memory_space<semaphore_mem>>)
      } else {
      }
      %mul3A_303 = arith.constant 8 : i32
      %mul3A_304 = arith.muli %scan3A_184, %mul3A_303 : i32
      %add3A_305 = arith.constant 5 : i32
      %add3A_306 = arith.addi %mul3A_304, %add3A_305 : i32
      %dma_wait3A_307 = arith.constant 5 : i32
      %dma_wait3A_308 = arith.constant 5 : i32
      %dma_wait3A_309 = arith.constant 0 : i32
      %dma_wait3A_310 = arith.constant 0 : i32
      %dma_wait3A_311 = tpu.memref_slice %arg9[%dma_wait3A_307, %dma_wait3A_309, %dma_wait3A_310] : memref<8x125x16xf32, #tpu.memory_space<vmem>> -> memref<1x125x16xf32, #tpu.memory_space<vmem>>
      %dma_wait3A_312 = tpu.memref_squeeze %dma_wait3A_311 : memref<1x125x16xf32, #tpu.memory_space<vmem>> -> memref<125x16xf32, #tpu.memory_space<vmem>>
      %dma_wait3A_313 = arith.constant 0 : i32
      %dma_wait3A_314 = tpu.memref_slice %arg7[%add3A_306, %dma_wait3A_313] : memref<80x125xi32, #tpu.memory_space<vmem>> -> memref<1x125xi32, #tpu.memory_space<vmem>>
      %dma_wait3A_315 = tpu.memref_squeeze %dma_wait3A_314 : memref<1x125xi32, #tpu.memory_space<vmem>> -> memref<125xi32, #tpu.memory_space<vmem>>
      %dma_wait3A_316 = arith.constant 0 : i32
      %dma_wait3A_317 = arith.constant 0 : i32
      %dma_wait3A_318 = tpu.memref_slice %arg2[%dma_wait3A_316, %dma_wait3A_317] : memref<10240x16xf32, #tpu.memory_space<hbm>> -> memref<10240x16xf32, #tpu.memory_space<hbm>>
      %dma_wait3A_319 = tpu.memref_slice %arg12[%dma_wait3A_308] : memref<8x!tpu.dma_semaphore, #tpu.memory_space<semaphore_mem>> -> memref<1x!tpu.dma_semaphore, #tpu.memory_space<semaphore_mem>>
      %dma_wait3A_320 = tpu.memref_squeeze %dma_wait3A_319 : memref<1x!tpu.dma_semaphore, #tpu.memory_space<semaphore_mem>> -> memref<!tpu.dma_semaphore, #tpu.memory_space<semaphore_mem>>
      tpu.wait_indirect_dma semaphore(%dma_wait3A_320 : memref<!tpu.dma_semaphore, #tpu.memory_space<semaphore_mem>>) src(%dma_wait3A_318 : memref<10240x16xf32, #tpu.memory_space<hbm>>) dst(%dma_wait3A_312 : memref<125x16xf32, #tpu.memory_space<vmem>>)
      %run_scoped3A_321 = arith.constant 5 : i32
      "tpu.region"() ({
        %run_scoped3A_375 = tpu.sem_alloc : memref<!tpu.dma_semaphore, #tpu.memory_space<semaphore_mem>>
        %dma_start3A_376 = arith.constant 0 : i32
        %dma_start3A_377 = arith.constant 0 : i32
        %dma_start3A_378 = tpu.memref_slice %arg9[%run_scoped3A_321, %dma_start3A_376, %dma_start3A_377] : memref<8x125x16xf32, #tpu.memory_space<vmem>> -> memref<1x125x16xf32, #tpu.memory_space<vmem>>
        %dma_start3A_379 = tpu.memref_squeeze %dma_start3A_378 : memref<1x125x16xf32, #tpu.memory_space<vmem>> -> memref<125x16xf32, #tpu.memory_space<vmem>>
        %dma_start3A_380 = arith.constant 0 : i32
        %dma_start3A_381 = tpu.memref_slice %arg8[%add3A_306, %dma_start3A_380] : memref<80x125xi32, #tpu.memory_space<vmem>> -> memref<1x125xi32, #tpu.memory_space<vmem>>
        %dma_start3A_382 = tpu.memref_squeeze %dma_start3A_381 : memref<1x125xi32, #tpu.memory_space<vmem>> -> memref<125xi32, #tpu.memory_space<vmem>>
        %dma_start3A_383 = arith.constant 0 : i32
        %dma_start3A_384 = arith.constant 0 : i32
        %dma_start3A_385 = tpu.memref_slice %arg11[%dma_start3A_383, %dma_start3A_384] : memref<10240x16xf32, #tpu.memory_space<vmem_shared>> -> memref<10240x16xf32, #tpu.memory_space<vmem_shared>>
        tpu.enqueue_indirect_dma source(%dma_start3A_379 : memref<125x16xf32, #tpu.memory_space<vmem>>) target(%dma_start3A_385 : memref<10240x16xf32, #tpu.memory_space<vmem_shared>>) offsets(%dma_start3A_382 : memref<125xi32, #tpu.memory_space<vmem>>) semaphore(%run_scoped3A_375 : memref<!tpu.dma_semaphore, #tpu.memory_space<semaphore_mem>>) {add = true}
        %dma_wait3A_386 = arith.constant 0 : i32
        %dma_wait3A_387 = arith.constant 0 : i32
        %dma_wait3A_388 = tpu.memref_slice %arg9[%run_scoped3A_321, %dma_wait3A_386, %dma_wait3A_387] : memref<8x125x16xf32, #tpu.memory_space<vmem>> -> memref<1x125x16xf32, #tpu.memory_space<vmem>>
        %dma_wait3A_389 = tpu.memref_squeeze %dma_wait3A_388 : memref<1x125x16xf32, #tpu.memory_space<vmem>> -> memref<125x16xf32, #tpu.memory_space<vmem>>
        %dma_wait3A_390 = arith.constant 0 : i32
        %dma_wait3A_391 = tpu.memref_slice %arg8[%add3A_306, %dma_wait3A_390] : memref<80x125xi32, #tpu.memory_space<vmem>> -> memref<1x125xi32, #tpu.memory_space<vmem>>
        %dma_wait3A_392 = tpu.memref_squeeze %dma_wait3A_391 : memref<1x125xi32, #tpu.memory_space<vmem>> -> memref<125xi32, #tpu.memory_space<vmem>>
        %dma_wait3A_393 = arith.constant 0 : i32
        %dma_wait3A_394 = arith.constant 0 : i32
        %dma_wait3A_395 = tpu.memref_slice %arg11[%dma_wait3A_393, %dma_wait3A_394] : memref<10240x16xf32, #tpu.memory_space<vmem_shared>> -> memref<10240x16xf32, #tpu.memory_space<vmem_shared>>
        tpu.wait_indirect_dma semaphore(%run_scoped3A_375 : memref<!tpu.dma_semaphore, #tpu.memory_space<semaphore_mem>>) src(%dma_wait3A_389 : memref<125x16xf32, #tpu.memory_space<vmem>>) dst(%dma_wait3A_395 : memref<10240x16xf32, #tpu.memory_space<vmem_shared>>)
        tpu.yield
      }) : () -> ()
      %lt3A_322 = arith.constant 9 : i32
      %lt3A_323 = arith.cmpi slt, %scan3A_184, %lt3A_322 : i32
      %convert_element_type3A_324 = arith.extui %lt3A_323 : i1 to i32
      %cond3A_325 = arith.constant 0 : i32
      %cond3A_326 = arith.cmpi ne, %convert_element_type3A_324, %cond3A_325 : i32
      scf.if %cond3A_326 {
        %add3A_375 = arith.constant 8 : i32
        %add3A_376 = arith.addi %add3A_306, %add3A_375 : i32
        %dma_start3A_377 = arith.constant 5 : i32
        %dma_start3A_378 = arith.constant 5 : i32
        %dma_start3A_379 = arith.constant 0 : i32
        %dma_start3A_380 = arith.constant 0 : i32
        %dma_start3A_381 = tpu.memref_slice %arg9[%dma_start3A_377, %dma_start3A_379, %dma_start3A_380] : memref<8x125x16xf32, #tpu.memory_space<vmem>> -> memref<1x125x16xf32, #tpu.memory_space<vmem>>
        %dma_start3A_382 = tpu.memref_squeeze %dma_start3A_381 : memref<1x125x16xf32, #tpu.memory_space<vmem>> -> memref<125x16xf32, #tpu.memory_space<vmem>>
        %dma_start3A_383 = arith.constant 0 : i32
        %dma_start3A_384 = tpu.memref_slice %arg7[%add3A_376, %dma_start3A_383] : memref<80x125xi32, #tpu.memory_space<vmem>> -> memref<1x125xi32, #tpu.memory_space<vmem>>
        %dma_start3A_385 = tpu.memref_squeeze %dma_start3A_384 : memref<1x125xi32, #tpu.memory_space<vmem>> -> memref<125xi32, #tpu.memory_space<vmem>>
        %dma_start3A_386 = arith.constant 0 : i32
        %dma_start3A_387 = arith.constant 0 : i32
        %dma_start3A_388 = tpu.memref_slice %arg2[%dma_start3A_386, %dma_start3A_387] : memref<10240x16xf32, #tpu.memory_space<hbm>> -> memref<10240x16xf32, #tpu.memory_space<hbm>>
        %dma_start3A_389 = tpu.memref_slice %arg12[%dma_start3A_378] : memref<8x!tpu.dma_semaphore, #tpu.memory_space<semaphore_mem>> -> memref<1x!tpu.dma_semaphore, #tpu.memory_space<semaphore_mem>>
        %dma_start3A_390 = tpu.memref_squeeze %dma_start3A_389 : memref<1x!tpu.dma_semaphore, #tpu.memory_space<semaphore_mem>> -> memref<!tpu.dma_semaphore, #tpu.memory_space<semaphore_mem>>
        tpu.enqueue_indirect_dma source(%dma_start3A_388 : memref<10240x16xf32, #tpu.memory_space<hbm>>) target(%dma_start3A_382 : memref<125x16xf32, #tpu.memory_space<vmem>>) offsets(%dma_start3A_385 : memref<125xi32, #tpu.memory_space<vmem>>) semaphore(%dma_start3A_390 : memref<!tpu.dma_semaphore, #tpu.memory_space<semaphore_mem>>)
      } else {
      }
      %mul3A_327 = arith.constant 8 : i32
      %mul3A_328 = arith.muli %scan3A_184, %mul3A_327 : i32
      %add3A_329 = arith.constant 6 : i32
      %add3A_330 = arith.addi %mul3A_328, %add3A_329 : i32
      %dma_wait3A_331 = arith.constant 6 : i32
      %dma_wait3A_332 = arith.constant 6 : i32
      %dma_wait3A_333 = arith.constant 0 : i32
      %dma_wait3A_334 = arith.constant 0 : i32
      %dma_wait3A_335 = tpu.memref_slice %arg9[%dma_wait3A_331, %dma_wait3A_333, %dma_wait3A_334] : memref<8x125x16xf32, #tpu.memory_space<vmem>> -> memref<1x125x16xf32, #tpu.memory_space<vmem>>
      %dma_wait3A_336 = tpu.memref_squeeze %dma_wait3A_335 : memref<1x125x16xf32, #tpu.memory_space<vmem>> -> memref<125x16xf32, #tpu.memory_space<vmem>>
      %dma_wait3A_337 = arith.constant 0 : i32
      %dma_wait3A_338 = tpu.memref_slice %arg7[%add3A_330, %dma_wait3A_337] : memref<80x125xi32, #tpu.memory_space<vmem>> -> memref<1x125xi32, #tpu.memory_space<vmem>>
      %dma_wait3A_339 = tpu.memref_squeeze %dma_wait3A_338 : memref<1x125xi32, #tpu.memory_space<vmem>> -> memref<125xi32, #tpu.memory_space<vmem>>
      %dma_wait3A_340 = arith.constant 0 : i32
      %dma_wait3A_341 = arith.constant 0 : i32
      %dma_wait3A_342 = tpu.memref_slice %arg2[%dma_wait3A_340, %dma_wait3A_341] : memref<10240x16xf32, #tpu.memory_space<hbm>> -> memref<10240x16xf32, #tpu.memory_space<hbm>>
      %dma_wait3A_343 = tpu.memref_slice %arg12[%dma_wait3A_332] : memref<8x!tpu.dma_semaphore, #tpu.memory_space<semaphore_mem>> -> memref<1x!tpu.dma_semaphore, #tpu.memory_space<semaphore_mem>>
      %dma_wait3A_344 = tpu.memref_squeeze %dma_wait3A_343 : memref<1x!tpu.dma_semaphore, #tpu.memory_space<semaphore_mem>> -> memref<!tpu.dma_semaphore, #tpu.memory_space<semaphore_mem>>
      tpu.wait_indirect_dma semaphore(%dma_wait3A_344 : memref<!tpu.dma_semaphore, #tpu.memory_space<semaphore_mem>>) src(%dma_wait3A_342 : memref<10240x16xf32, #tpu.memory_space<hbm>>) dst(%dma_wait3A_336 : memref<125x16xf32, #tpu.memory_space<vmem>>)
      %run_scoped3A_345 = arith.constant 6 : i32
      "tpu.region"() ({
        %run_scoped3A_375 = tpu.sem_alloc : memref<!tpu.dma_semaphore, #tpu.memory_space<semaphore_mem>>
        %dma_start3A_376 = arith.constant 0 : i32
        %dma_start3A_377 = arith.constant 0 : i32
        %dma_start3A_378 = tpu.memref_slice %arg9[%run_scoped3A_345, %dma_start3A_376, %dma_start3A_377] : memref<8x125x16xf32, #tpu.memory_space<vmem>> -> memref<1x125x16xf32, #tpu.memory_space<vmem>>
        %dma_start3A_379 = tpu.memref_squeeze %dma_start3A_378 : memref<1x125x16xf32, #tpu.memory_space<vmem>> -> memref<125x16xf32, #tpu.memory_space<vmem>>
        %dma_start3A_380 = arith.constant 0 : i32
        %dma_start3A_381 = tpu.memref_slice %arg8[%add3A_330, %dma_start3A_380] : memref<80x125xi32, #tpu.memory_space<vmem>> -> memref<1x125xi32, #tpu.memory_space<vmem>>
        %dma_start3A_382 = tpu.memref_squeeze %dma_start3A_381 : memref<1x125xi32, #tpu.memory_space<vmem>> -> memref<125xi32, #tpu.memory_space<vmem>>
        %dma_start3A_383 = arith.constant 0 : i32
        %dma_start3A_384 = arith.constant 0 : i32
        %dma_start3A_385 = tpu.memref_slice %arg11[%dma_start3A_383, %dma_start3A_384] : memref<10240x16xf32, #tpu.memory_space<vmem_shared>> -> memref<10240x16xf32, #tpu.memory_space<vmem_shared>>
        tpu.enqueue_indirect_dma source(%dma_start3A_379 : memref<125x16xf32, #tpu.memory_space<vmem>>) target(%dma_start3A_385 : memref<10240x16xf32, #tpu.memory_space<vmem_shared>>) offsets(%dma_start3A_382 : memref<125xi32, #tpu.memory_space<vmem>>) semaphore(%run_scoped3A_375 : memref<!tpu.dma_semaphore, #tpu.memory_space<semaphore_mem>>) {add = true}
        %dma_wait3A_386 = arith.constant 0 : i32
        %dma_wait3A_387 = arith.constant 0 : i32
        %dma_wait3A_388 = tpu.memref_slice %arg9[%run_scoped3A_345, %dma_wait3A_386, %dma_wait3A_387] : memref<8x125x16xf32, #tpu.memory_space<vmem>> -> memref<1x125x16xf32, #tpu.memory_space<vmem>>
        %dma_wait3A_389 = tpu.memref_squeeze %dma_wait3A_388 : memref<1x125x16xf32, #tpu.memory_space<vmem>> -> memref<125x16xf32, #tpu.memory_space<vmem>>
        %dma_wait3A_390 = arith.constant 0 : i32
        %dma_wait3A_391 = tpu.memref_slice %arg8[%add3A_330, %dma_wait3A_390] : memref<80x125xi32, #tpu.memory_space<vmem>> -> memref<1x125xi32, #tpu.memory_space<vmem>>
        %dma_wait3A_392 = tpu.memref_squeeze %dma_wait3A_391 : memref<1x125xi32, #tpu.memory_space<vmem>> -> memref<125xi32, #tpu.memory_space<vmem>>
        %dma_wait3A_393 = arith.constant 0 : i32
        %dma_wait3A_394 = arith.constant 0 : i32
        %dma_wait3A_395 = tpu.memref_slice %arg11[%dma_wait3A_393, %dma_wait3A_394] : memref<10240x16xf32, #tpu.memory_space<vmem_shared>> -> memref<10240x16xf32, #tpu.memory_space<vmem_shared>>
        tpu.wait_indirect_dma semaphore(%run_scoped3A_375 : memref<!tpu.dma_semaphore, #tpu.memory_space<semaphore_mem>>) src(%dma_wait3A_389 : memref<125x16xf32, #tpu.memory_space<vmem>>) dst(%dma_wait3A_395 : memref<10240x16xf32, #tpu.memory_space<vmem_shared>>)
        tpu.yield
      }) : () -> ()
      %lt3A_346 = arith.constant 9 : i32
      %lt3A_347 = arith.cmpi slt, %scan3A_184, %lt3A_346 : i32
      %convert_element_type3A_348 = arith.extui %lt3A_347 : i1 to i32
      %cond3A_349 = arith.constant 0 : i32
      %cond3A_350 = arith.cmpi ne, %convert_element_type3A_348, %cond3A_349 : i32
      scf.if %cond3A_350 {
        %add3A_375 = arith.constant 8 : i32
        %add3A_376 = arith.addi %add3A_330, %add3A_375 : i32
        %dma_start3A_377 = arith.constant 6 : i32
        %dma_start3A_378 = arith.constant 6 : i32
        %dma_start3A_379 = arith.constant 0 : i32
        %dma_start3A_380 = arith.constant 0 : i32
        %dma_start3A_381 = tpu.memref_slice %arg9[%dma_start3A_377, %dma_start3A_379, %dma_start3A_380] : memref<8x125x16xf32, #tpu.memory_space<vmem>> -> memref<1x125x16xf32, #tpu.memory_space<vmem>>
        %dma_start3A_382 = tpu.memref_squeeze %dma_start3A_381 : memref<1x125x16xf32, #tpu.memory_space<vmem>> -> memref<125x16xf32, #tpu.memory_space<vmem>>
        %dma_start3A_383 = arith.constant 0 : i32
        %dma_start3A_384 = tpu.memref_slice %arg7[%add3A_376, %dma_start3A_383] : memref<80x125xi32, #tpu.memory_space<vmem>> -> memref<1x125xi32, #tpu.memory_space<vmem>>
        %dma_start3A_385 = tpu.memref_squeeze %dma_start3A_384 : memref<1x125xi32, #tpu.memory_space<vmem>> -> memref<125xi32, #tpu.memory_space<vmem>>
        %dma_start3A_386 = arith.constant 0 : i32
        %dma_start3A_387 = arith.constant 0 : i32
        %dma_start3A_388 = tpu.memref_slice %arg2[%dma_start3A_386, %dma_start3A_387] : memref<10240x16xf32, #tpu.memory_space<hbm>> -> memref<10240x16xf32, #tpu.memory_space<hbm>>
        %dma_start3A_389 = tpu.memref_slice %arg12[%dma_start3A_378] : memref<8x!tpu.dma_semaphore, #tpu.memory_space<semaphore_mem>> -> memref<1x!tpu.dma_semaphore, #tpu.memory_space<semaphore_mem>>
        %dma_start3A_390 = tpu.memref_squeeze %dma_start3A_389 : memref<1x!tpu.dma_semaphore, #tpu.memory_space<semaphore_mem>> -> memref<!tpu.dma_semaphore, #tpu.memory_space<semaphore_mem>>
        tpu.enqueue_indirect_dma source(%dma_start3A_388 : memref<10240x16xf32, #tpu.memory_space<hbm>>) target(%dma_start3A_382 : memref<125x16xf32, #tpu.memory_space<vmem>>) offsets(%dma_start3A_385 : memref<125xi32, #tpu.memory_space<vmem>>) semaphore(%dma_start3A_390 : memref<!tpu.dma_semaphore, #tpu.memory_space<semaphore_mem>>)
      } else {
      }
      %mul3A_351 = arith.constant 8 : i32
      %mul3A_352 = arith.muli %scan3A_184, %mul3A_351 : i32
      %add3A_353 = arith.constant 7 : i32
      %add3A_354 = arith.addi %mul3A_352, %add3A_353 : i32
      %dma_wait3A_355 = arith.constant 7 : i32
      %dma_wait3A_356 = arith.constant 7 : i32
      %dma_wait3A_357 = arith.constant 0 : i32
      %dma_wait3A_358 = arith.constant 0 : i32
      %dma_wait3A_359 = tpu.memref_slice %arg9[%dma_wait3A_355, %dma_wait3A_357, %dma_wait3A_358] : memref<8x125x16xf32, #tpu.memory_space<vmem>> -> memref<1x125x16xf32, #tpu.memory_space<vmem>>
      %dma_wait3A_360 = tpu.memref_squeeze %dma_wait3A_359 : memref<1x125x16xf32, #tpu.memory_space<vmem>> -> memref<125x16xf32, #tpu.memory_space<vmem>>
      %dma_wait3A_361 = arith.constant 0 : i32
      %dma_wait3A_362 = tpu.memref_slice %arg7[%add3A_354, %dma_wait3A_361] : memref<80x125xi32, #tpu.memory_space<vmem>> -> memref<1x125xi32, #tpu.memory_space<vmem>>
      %dma_wait3A_363 = tpu.memref_squeeze %dma_wait3A_362 : memref<1x125xi32, #tpu.memory_space<vmem>> -> memref<125xi32, #tpu.memory_space<vmem>>
      %dma_wait3A_364 = arith.constant 0 : i32
      %dma_wait3A_365 = arith.constant 0 : i32
      %dma_wait3A_366 = tpu.memref_slice %arg2[%dma_wait3A_364, %dma_wait3A_365] : memref<10240x16xf32, #tpu.memory_space<hbm>> -> memref<10240x16xf32, #tpu.memory_space<hbm>>
      %dma_wait3A_367 = tpu.memref_slice %arg12[%dma_wait3A_356] : memref<8x!tpu.dma_semaphore, #tpu.memory_space<semaphore_mem>> -> memref<1x!tpu.dma_semaphore, #tpu.memory_space<semaphore_mem>>
      %dma_wait3A_368 = tpu.memref_squeeze %dma_wait3A_367 : memref<1x!tpu.dma_semaphore, #tpu.memory_space<semaphore_mem>> -> memref<!tpu.dma_semaphore, #tpu.memory_space<semaphore_mem>>
      tpu.wait_indirect_dma semaphore(%dma_wait3A_368 : memref<!tpu.dma_semaphore, #tpu.memory_space<semaphore_mem>>) src(%dma_wait3A_366 : memref<10240x16xf32, #tpu.memory_space<hbm>>) dst(%dma_wait3A_360 : memref<125x16xf32, #tpu.memory_space<vmem>>)
      %run_scoped3A_369 = arith.constant 7 : i32
      "tpu.region"() ({
        %run_scoped3A_375 = tpu.sem_alloc : memref<!tpu.dma_semaphore, #tpu.memory_space<semaphore_mem>>
        %dma_start3A_376 = arith.constant 0 : i32
        %dma_start3A_377 = arith.constant 0 : i32
        %dma_start3A_378 = tpu.memref_slice %arg9[%run_scoped3A_369, %dma_start3A_376, %dma_start3A_377] : memref<8x125x16xf32, #tpu.memory_space<vmem>> -> memref<1x125x16xf32, #tpu.memory_space<vmem>>
        %dma_start3A_379 = tpu.memref_squeeze %dma_start3A_378 : memref<1x125x16xf32, #tpu.memory_space<vmem>> -> memref<125x16xf32, #tpu.memory_space<vmem>>
        %dma_start3A_380 = arith.constant 0 : i32
        %dma_start3A_381 = tpu.memref_slice %arg8[%add3A_354, %dma_start3A_380] : memref<80x125xi32, #tpu.memory_space<vmem>> -> memref<1x125xi32, #tpu.memory_space<vmem>>
        %dma_start3A_382 = tpu.memref_squeeze %dma_start3A_381 : memref<1x125xi32, #tpu.memory_space<vmem>> -> memref<125xi32, #tpu.memory_space<vmem>>
        %dma_start3A_383 = arith.constant 0 : i32
        %dma_start3A_384 = arith.constant 0 : i32
        %dma_start3A_385 = tpu.memref_slice %arg11[%dma_start3A_383, %dma_start3A_384] : memref<10240x16xf32, #tpu.memory_space<vmem_shared>> -> memref<10240x16xf32, #tpu.memory_space<vmem_shared>>
        tpu.enqueue_indirect_dma source(%dma_start3A_379 : memref<125x16xf32, #tpu.memory_space<vmem>>) target(%dma_start3A_385 : memref<10240x16xf32, #tpu.memory_space<vmem_shared>>) offsets(%dma_start3A_382 : memref<125xi32, #tpu.memory_space<vmem>>) semaphore(%run_scoped3A_375 : memref<!tpu.dma_semaphore, #tpu.memory_space<semaphore_mem>>) {add = true}
        %dma_wait3A_386 = arith.constant 0 : i32
        %dma_wait3A_387 = arith.constant 0 : i32
        %dma_wait3A_388 = tpu.memref_slice %arg9[%run_scoped3A_369, %dma_wait3A_386, %dma_wait3A_387] : memref<8x125x16xf32, #tpu.memory_space<vmem>> -> memref<1x125x16xf32, #tpu.memory_space<vmem>>
        %dma_wait3A_389 = tpu.memref_squeeze %dma_wait3A_388 : memref<1x125x16xf32, #tpu.memory_space<vmem>> -> memref<125x16xf32, #tpu.memory_space<vmem>>
        %dma_wait3A_390 = arith.constant 0 : i32
        %dma_wait3A_391 = tpu.memref_slice %arg8[%add3A_354, %dma_wait3A_390] : memref<80x125xi32, #tpu.memory_space<vmem>> -> memref<1x125xi32, #tpu.memory_space<vmem>>
        %dma_wait3A_392 = tpu.memref_squeeze %dma_wait3A_391 : memref<1x125xi32, #tpu.memory_space<vmem>> -> memref<125xi32, #tpu.memory_space<vmem>>
        %dma_wait3A_393 = arith.constant 0 : i32
        %dma_wait3A_394 = arith.constant 0 : i32
        %dma_wait3A_395 = tpu.memref_slice %arg11[%dma_wait3A_393, %dma_wait3A_394] : memref<10240x16xf32, #tpu.memory_space<vmem_shared>> -> memref<10240x16xf32, #tpu.memory_space<vmem_shared>>
        tpu.wait_indirect_dma semaphore(%run_scoped3A_375 : memref<!tpu.dma_semaphore, #tpu.memory_space<semaphore_mem>>) src(%dma_wait3A_389 : memref<125x16xf32, #tpu.memory_space<vmem>>) dst(%dma_wait3A_395 : memref<10240x16xf32, #tpu.memory_space<vmem_shared>>)
        tpu.yield
      }) : () -> ()
      %lt3A_370 = arith.constant 9 : i32
      %lt3A_371 = arith.cmpi slt, %scan3A_184, %lt3A_370 : i32
      %convert_element_type3A_372 = arith.extui %lt3A_371 : i1 to i32
      %cond3A_373 = arith.constant 0 : i32
      %cond3A_374 = arith.cmpi ne, %convert_element_type3A_372, %cond3A_373 : i32
      scf.if %cond3A_374 {
        %add3A_375 = arith.constant 8 : i32
        %add3A_376 = arith.addi %add3A_354, %add3A_375 : i32
        %dma_start3A_377 = arith.constant 7 : i32
        %dma_start3A_378 = arith.constant 7 : i32
        %dma_start3A_379 = arith.constant 0 : i32
        %dma_start3A_380 = arith.constant 0 : i32
        %dma_start3A_381 = tpu.memref_slice %arg9[%dma_start3A_377, %dma_start3A_379, %dma_start3A_380] : memref<8x125x16xf32, #tpu.memory_space<vmem>> -> memref<1x125x16xf32, #tpu.memory_space<vmem>>
        %dma_start3A_382 = tpu.memref_squeeze %dma_start3A_381 : memref<1x125x16xf32, #tpu.memory_space<vmem>> -> memref<125x16xf32, #tpu.memory_space<vmem>>
        %dma_start3A_383 = arith.constant 0 : i32
        %dma_start3A_384 = tpu.memref_slice %arg7[%add3A_376, %dma_start3A_383] : memref<80x125xi32, #tpu.memory_space<vmem>> -> memref<1x125xi32, #tpu.memory_space<vmem>>
        %dma_start3A_385 = tpu.memref_squeeze %dma_start3A_384 : memref<1x125xi32, #tpu.memory_space<vmem>> -> memref<125xi32, #tpu.memory_space<vmem>>
        %dma_start3A_386 = arith.constant 0 : i32
        %dma_start3A_387 = arith.constant 0 : i32
        %dma_start3A_388 = tpu.memref_slice %arg2[%dma_start3A_386, %dma_start3A_387] : memref<10240x16xf32, #tpu.memory_space<hbm>> -> memref<10240x16xf32, #tpu.memory_space<hbm>>
        %dma_start3A_389 = tpu.memref_slice %arg12[%dma_start3A_378] : memref<8x!tpu.dma_semaphore, #tpu.memory_space<semaphore_mem>> -> memref<1x!tpu.dma_semaphore, #tpu.memory_space<semaphore_mem>>
        %dma_start3A_390 = tpu.memref_squeeze %dma_start3A_389 : memref<1x!tpu.dma_semaphore, #tpu.memory_space<semaphore_mem>> -> memref<!tpu.dma_semaphore, #tpu.memory_space<semaphore_mem>>
        tpu.enqueue_indirect_dma source(%dma_start3A_388 : memref<10240x16xf32, #tpu.memory_space<hbm>>) target(%dma_start3A_382 : memref<125x16xf32, #tpu.memory_space<vmem>>) offsets(%dma_start3A_385 : memref<125xi32, #tpu.memory_space<vmem>>) semaphore(%dma_start3A_390 : memref<!tpu.dma_semaphore, #tpu.memory_space<semaphore_mem>>)
      } else {
      }
    }
    %scan3A_173 = arith.constant 10 : i32
    %barrier3A_174 = arith.constant 0 : index
    tpu.barrier barrier_id(%barrier3A_174)
    %mul3A_175 = arith.constant 640 : i32
    %mul3A_176 = arith.muli %arg1, %mul3A_175 : i32
    "tpu.region"() ({
      %run_scoped3A = tpu.sem_alloc : memref<!tpu.dma_semaphore, #tpu.memory_space<semaphore_mem>>
      %dma_start3A_184 = arith.constant 0 : i32
      %dma_start3A_185 = tpu.memref_slice %arg11[%mul3A_176, %dma_start3A_184] : memref<10240x16xf32, #tpu.memory_space<vmem_shared>> -> memref<640x16xf32, #tpu.memory_space<vmem_shared>>
      %dma_start3A_186 = arith.constant 0 : i32
      %dma_start3A_187 = tpu.memref_slice %arg11[%mul3A_176, %dma_start3A_186] : memref<10240x16xf32, #tpu.memory_space<vmem_shared>> -> memref<640x16xf32, #tpu.memory_space<vmem_shared>>
      tpu.enqueue_dma source(%dma_start3A_187 : memref<640x16xf32, #tpu.memory_space<vmem_shared>>) target(%arg10 : memref<640x16xf32, #tpu.memory_space<vmem>>) target_semaphore(%run_scoped3A : memref<!tpu.dma_semaphore, #tpu.memory_space<semaphore_mem>>)
      %dma_wait3A_188 = arith.constant 0 : i32
      %dma_wait3A_189 = tpu.memref_slice %arg11[%mul3A_176, %dma_wait3A_188] : memref<10240x16xf32, #tpu.memory_space<vmem_shared>> -> memref<640x16xf32, #tpu.memory_space<vmem_shared>>
      %dma_wait3A_190 = arith.constant 0 : i32
      %dma_wait3A_191 = tpu.memref_slice %arg11[%mul3A_176, %dma_wait3A_190] : memref<10240x16xf32, #tpu.memory_space<vmem_shared>> -> memref<640x16xf32, #tpu.memory_space<vmem_shared>>
      tpu.wait_dma2 semaphore(%run_scoped3A : memref<!tpu.dma_semaphore, #tpu.memory_space<semaphore_mem>>) src(%dma_wait3A_191 : memref<640x16xf32, #tpu.memory_space<vmem_shared>>) dst(%arg10 : memref<640x16xf32, #tpu.memory_space<vmem>>)
      tpu.yield
    }) : () -> ()
    %eq3A = arith.constant 0 : i32
    %eq3A_177 = arith.cmpi eq, %arg0, %eq3A : i32
    %convert_element_type3A = arith.extui %eq3A_177 : i1 to i32
    %cond3A = arith.constant 0 : i32
    %cond3A_178 = arith.cmpi ne, %convert_element_type3A, %cond3A : i32
    scf.if %cond3A_178 {
      %mul3A_184 = arith.constant 640 : i32
      %mul3A_185 = arith.muli %arg1, %mul3A_184 : i32
      "tpu.region"() ({
        %run_scoped3A = tpu.sem_alloc : memref<!tpu.dma_semaphore, #tpu.memory_space<semaphore_mem>>
        %dma_start3A_186 = arith.constant 0 : i32
        %dma_start3A_187 = tpu.memref_slice %arg5[%mul3A_185, %dma_start3A_186] : memref<10240x16xf32, #tpu.memory_space<hbm>> -> memref<640x16xf32, #tpu.memory_space<hbm>>
        %dma_start3A_188 = arith.constant 0 : i32
        %dma_start3A_189 = tpu.memref_slice %arg5[%mul3A_185, %dma_start3A_188] : memref<10240x16xf32, #tpu.memory_space<hbm>> -> memref<640x16xf32, #tpu.memory_space<hbm>>
        tpu.enqueue_dma source(%arg10 : memref<640x16xf32, #tpu.memory_space<vmem>>) target(%dma_start3A_189 : memref<640x16xf32, #tpu.memory_space<hbm>>) target_semaphore(%run_scoped3A : memref<!tpu.dma_semaphore, #tpu.memory_space<semaphore_mem>>)
        %dma_wait3A_190 = arith.constant 0 : i32
        %dma_wait3A_191 = tpu.memref_slice %arg5[%mul3A_185, %dma_wait3A_190] : memref<10240x16xf32, #tpu.memory_space<hbm>> -> memref<640x16xf32, #tpu.memory_space<hbm>>
        %dma_wait3A_192 = arith.constant 0 : i32
        %dma_wait3A_193 = tpu.memref_slice %arg5[%mul3A_185, %dma_wait3A_192] : memref<10240x16xf32, #tpu.memory_space<hbm>> -> memref<640x16xf32, #tpu.memory_space<hbm>>
        tpu.wait_dma2 semaphore(%run_scoped3A : memref<!tpu.dma_semaphore, #tpu.memory_space<semaphore_mem>>) src(%arg10 : memref<640x16xf32, #tpu.memory_space<vmem>>) dst(%dma_wait3A_193 : memref<640x16xf32, #tpu.memory_space<hbm>>)
        tpu.yield
      }) : () -> ()
    } else {
    }
    %eq3A_179 = arith.constant 1 : i32
    %eq3A_180 = arith.cmpi eq, %arg0, %eq3A_179 : i32
    %convert_element_type3A_181 = arith.extui %eq3A_180 : i1 to i32
    %cond3A_182 = arith.constant 0 : i32
    %cond3A_183 = arith.cmpi ne, %convert_element_type3A_181, %cond3A_182 : i32
    scf.if %cond3A_183 {
      %mul3A_184 = arith.constant 640 : i32
      %mul3A_185 = arith.muli %arg1, %mul3A_184 : i32
      "tpu.region"() ({
        %run_scoped3A = tpu.sem_alloc : memref<!tpu.dma_semaphore, #tpu.memory_space<semaphore_mem>>
        %dma_start3A_186 = arith.constant 0 : i32
        %dma_start3A_187 = tpu.memref_slice %arg6[%mul3A_185, %dma_start3A_186] : memref<10240x16xf32, #tpu.memory_space<hbm>> -> memref<640x16xf32, #tpu.memory_space<hbm>>
        %dma_start3A_188 = arith.constant 0 : i32
        %dma_start3A_189 = tpu.memref_slice %arg6[%mul3A_185, %dma_start3A_188] : memref<10240x16xf32, #tpu.memory_space<hbm>> -> memref<640x16xf32, #tpu.memory_space<hbm>>
        tpu.enqueue_dma source(%arg10 : memref<640x16xf32, #tpu.memory_space<vmem>>) target(%dma_start3A_189 : memref<640x16xf32, #tpu.memory_space<hbm>>) target_semaphore(%run_scoped3A : memref<!tpu.dma_semaphore, #tpu.memory_space<semaphore_mem>>)
        %dma_wait3A_190 = arith.constant 0 : i32
        %dma_wait3A_191 = tpu.memref_slice %arg6[%mul3A_185, %dma_wait3A_190] : memref<10240x16xf32, #tpu.memory_space<hbm>> -> memref<640x16xf32, #tpu.memory_space<hbm>>
        %dma_wait3A_192 = arith.constant 0 : i32
        %dma_wait3A_193 = tpu.memref_slice %arg6[%mul3A_185, %dma_wait3A_192] : memref<10240x16xf32, #tpu.memory_space<hbm>> -> memref<640x16xf32, #tpu.memory_space<hbm>>
        tpu.wait_dma2 semaphore(%run_scoped3A : memref<!tpu.dma_semaphore, #tpu.memory_space<semaphore_mem>>) src(%arg10 : memref<640x16xf32, #tpu.memory_space<vmem>>) dst(%dma_wait3A_193 : memref<640x16xf32, #tpu.memory_space<hbm>>)
        tpu.yield
      }) : () -> ()
    } else {
    }
    return
  }
}

module attributes {stable_mosaic.version = 14 : i64} {
  func.func @_project_kernel(%arg0: memref<10000x128xf32, #tpu.memory_space<vmem>>, %arg1: memref<128x16xf32, #tpu.memory_space<vmem>>, %arg2: memref<1280x128xf32, #tpu.memory_space<vmem>>) attributes {dimension_semantics = [], scalar_prefetch = 0 : i64, scratch_operands = 0 : i64, tpu.core_type = #tpu.core_type<tc>} {
    %get3A = arith.constant 0 : index
    %get3A_0 = arith.constant 0 : index
    %get3A_1 = tpu.strided_load %arg0[%get3A, %get3A_0] {strides = array<i32: 8, 1>} : memref<10000x128xf32, #tpu.memory_space<vmem>>, vector<1250x128xf32>
    %get3A_2 = arith.constant 0 : index
    %get3A_3 = arith.constant 0 : index
    %get3A_4 = vector.load %arg1[%get3A_2, %get3A_3] : memref<128x16xf32, #tpu.memory_space<vmem>>, vector<128x16xf32>
    %dot_general3A = arith.constant dense<0.000000e+00> : vector<1250x16xf32>
    %dot_general3A_5 = tpu.matmul %get3A_1, %get3A_4, %dot_general3A {dimension_numbers = #tpu.dot_dimension_numbers<[1], [0], [0], [1], [0, 0, 1, 1], [], []>, transpose_lhs_hint = false} : vector<1250x128xf32>, vector<128x16xf32>, vector<1250x16xf32> -> vector<1250x16xf32>
    %swap3A = arith.constant 0 : index
    %swap3A_6 = arith.constant 0 : index
    %swap3A_7 = vector.load %arg2[%swap3A, %swap3A_6] : memref<1280x128xf32, #tpu.memory_space<vmem>>, vector<1250x16xf32>
    tpu.vector_store %arg2[%swap3A, %swap3A_6], %dot_general3A_5 {strides = array<i32>} : memref<1280x128xf32, #tpu.memory_space<vmem>>, vector<1250x16xf32>,
    %get3A_8 = arith.constant 1 : index
    %get3A_9 = arith.constant 0 : index
    %get3A_10 = tpu.strided_load %arg0[%get3A_8, %get3A_9] {strides = array<i32: 8, 1>} : memref<10000x128xf32, #tpu.memory_space<vmem>>, vector<1250x128xf32>
    %get3A_11 = arith.constant 0 : index
    %get3A_12 = arith.constant 0 : index
    %get3A_13 = vector.load %arg1[%get3A_11, %get3A_12] : memref<128x16xf32, #tpu.memory_space<vmem>>, vector<128x16xf32>
    %dot_general3A_14 = arith.constant dense<0.000000e+00> : vector<1250x16xf32>
    %dot_general3A_15 = tpu.matmul %get3A_10, %get3A_13, %dot_general3A_14 {dimension_numbers = #tpu.dot_dimension_numbers<[1], [0], [0], [1], [0, 0, 1, 1], [], []>, transpose_lhs_hint = false} : vector<1250x128xf32>, vector<128x16xf32>, vector<1250x16xf32> -> vector<1250x16xf32>
    %swap3A_16 = arith.constant 0 : index
    %swap3A_17 = arith.constant 16 : index
    %swap3A_18 = vector.load %arg2[%swap3A_16, %swap3A_17] : memref<1280x128xf32, #tpu.memory_space<vmem>>, vector<1250x16xf32>
    tpu.vector_store %arg2[%swap3A_16, %swap3A_17], %dot_general3A_15 {strides = array<i32>} : memref<1280x128xf32, #tpu.memory_space<vmem>>, vector<1250x16xf32>,
    %get3A_19 = arith.constant 2 : index
    %get3A_20 = arith.constant 0 : index
    %get3A_21 = tpu.strided_load %arg0[%get3A_19, %get3A_20] {strides = array<i32: 8, 1>} : memref<10000x128xf32, #tpu.memory_space<vmem>>, vector<1250x128xf32>
    %get3A_22 = arith.constant 0 : index
    %get3A_23 = arith.constant 0 : index
    %get3A_24 = vector.load %arg1[%get3A_22, %get3A_23] : memref<128x16xf32, #tpu.memory_space<vmem>>, vector<128x16xf32>
    %dot_general3A_25 = arith.constant dense<0.000000e+00> : vector<1250x16xf32>
    %dot_general3A_26 = tpu.matmul %get3A_21, %get3A_24, %dot_general3A_25 {dimension_numbers = #tpu.dot_dimension_numbers<[1], [0], [0], [1], [0, 0, 1, 1], [], []>, transpose_lhs_hint = false} : vector<1250x128xf32>, vector<128x16xf32>, vector<1250x16xf32> -> vector<1250x16xf32>
    %swap3A_27 = arith.constant 0 : index
    %swap3A_28 = arith.constant 32 : index
    %swap3A_29 = vector.load %arg2[%swap3A_27, %swap3A_28] : memref<1280x128xf32, #tpu.memory_space<vmem>>, vector<1250x16xf32>
    tpu.vector_store %arg2[%swap3A_27, %swap3A_28], %dot_general3A_26 {strides = array<i32>} : memref<1280x128xf32, #tpu.memory_space<vmem>>, vector<1250x16xf32>,
    %get3A_30 = arith.constant 3 : index
    %get3A_31 = arith.constant 0 : index
    %get3A_32 = tpu.strided_load %arg0[%get3A_30, %get3A_31] {strides = array<i32: 8, 1>} : memref<10000x128xf32, #tpu.memory_space<vmem>>, vector<1250x128xf32>
    %get3A_33 = arith.constant 0 : index
    %get3A_34 = arith.constant 0 : index
    %get3A_35 = vector.load %arg1[%get3A_33, %get3A_34] : memref<128x16xf32, #tpu.memory_space<vmem>>, vector<128x16xf32>
    %dot_general3A_36 = arith.constant dense<0.000000e+00> : vector<1250x16xf32>
    %dot_general3A_37 = tpu.matmul %get3A_32, %get3A_35, %dot_general3A_36 {dimension_numbers = #tpu.dot_dimension_numbers<[1], [0], [0], [1], [0, 0, 1, 1], [], []>, transpose_lhs_hint = false} : vector<1250x128xf32>, vector<128x16xf32>, vector<1250x16xf32> -> vector<1250x16xf32>
    %swap3A_38 = arith.constant 0 : index
    %swap3A_39 = arith.constant 48 : index
    %swap3A_40 = vector.load %arg2[%swap3A_38, %swap3A_39] : memref<1280x128xf32, #tpu.memory_space<vmem>>, vector<1250x16xf32>
    tpu.vector_store %arg2[%swap3A_38, %swap3A_39], %dot_general3A_37 {strides = array<i32>} : memref<1280x128xf32, #tpu.memory_space<vmem>>, vector<1250x16xf32>,
    %get3A_41 = arith.constant 4 : index
    %get3A_42 = arith.constant 0 : index
    %get3A_43 = tpu.strided_load %arg0[%get3A_41, %get3A_42] {strides = array<i32: 8, 1>} : memref<10000x128xf32, #tpu.memory_space<vmem>>, vector<1250x128xf32>
    %get3A_44 = arith.constant 0 : index
    %get3A_45 = arith.constant 0 : index
    %get3A_46 = vector.load %arg1[%get3A_44, %get3A_45] : memref<128x16xf32, #tpu.memory_space<vmem>>, vector<128x16xf32>
    %dot_general3A_47 = arith.constant dense<0.000000e+00> : vector<1250x16xf32>
    %dot_general3A_48 = tpu.matmul %get3A_43, %get3A_46, %dot_general3A_47 {dimension_numbers = #tpu.dot_dimension_numbers<[1], [0], [0], [1], [0, 0, 1, 1], [], []>, transpose_lhs_hint = false} : vector<1250x128xf32>, vector<128x16xf32>, vector<1250x16xf32> -> vector<1250x16xf32>
    %swap3A_49 = arith.constant 0 : index
    %swap3A_50 = arith.constant 64 : index
    %swap3A_51 = vector.load %arg2[%swap3A_49, %swap3A_50] : memref<1280x128xf32, #tpu.memory_space<vmem>>, vector<1250x16xf32>
    tpu.vector_store %arg2[%swap3A_49, %swap3A_50], %dot_general3A_48 {strides = array<i32>} : memref<1280x128xf32, #tpu.memory_space<vmem>>, vector<1250x16xf32>,
    %get3A_52 = arith.constant 5 : index
    %get3A_53 = arith.constant 0 : index
    %get3A_54 = tpu.strided_load %arg0[%get3A_52, %get3A_53] {strides = array<i32: 8, 1>} : memref<10000x128xf32, #tpu.memory_space<vmem>>, vector<1250x128xf32>
    %get3A_55 = arith.constant 0 : index
    %get3A_56 = arith.constant 0 : index
    %get3A_57 = vector.load %arg1[%get3A_55, %get3A_56] : memref<128x16xf32, #tpu.memory_space<vmem>>, vector<128x16xf32>
    %dot_general3A_58 = arith.constant dense<0.000000e+00> : vector<1250x16xf32>
    %dot_general3A_59 = tpu.matmul %get3A_54, %get3A_57, %dot_general3A_58 {dimension_numbers = #tpu.dot_dimension_numbers<[1], [0], [0], [1], [0, 0, 1, 1], [], []>, transpose_lhs_hint = false} : vector<1250x128xf32>, vector<128x16xf32>, vector<1250x16xf32> -> vector<1250x16xf32>
    %swap3A_60 = arith.constant 0 : index
    %swap3A_61 = arith.constant 80 : index
    %swap3A_62 = vector.load %arg2[%swap3A_60, %swap3A_61] : memref<1280x128xf32, #tpu.memory_space<vmem>>, vector<1250x16xf32>
    tpu.vector_store %arg2[%swap3A_60, %swap3A_61], %dot_general3A_59 {strides = array<i32>} : memref<1280x128xf32, #tpu.memory_space<vmem>>, vector<1250x16xf32>,
    %get3A_63 = arith.constant 6 : index
    %get3A_64 = arith.constant 0 : index
    %get3A_65 = tpu.strided_load %arg0[%get3A_63, %get3A_64] {strides = array<i32: 8, 1>} : memref<10000x128xf32, #tpu.memory_space<vmem>>, vector<1250x128xf32>
    %get3A_66 = arith.constant 0 : index
    %get3A_67 = arith.constant 0 : index
    %get3A_68 = vector.load %arg1[%get3A_66, %get3A_67] : memref<128x16xf32, #tpu.memory_space<vmem>>, vector<128x16xf32>
    %dot_general3A_69 = arith.constant dense<0.000000e+00> : vector<1250x16xf32>
    %dot_general3A_70 = tpu.matmul %get3A_65, %get3A_68, %dot_general3A_69 {dimension_numbers = #tpu.dot_dimension_numbers<[1], [0], [0], [1], [0, 0, 1, 1], [], []>, transpose_lhs_hint = false} : vector<1250x128xf32>, vector<128x16xf32>, vector<1250x16xf32> -> vector<1250x16xf32>
    %swap3A_71 = arith.constant 0 : index
    %swap3A_72 = arith.constant 96 : index
    %swap3A_73 = vector.load %arg2[%swap3A_71, %swap3A_72] : memref<1280x128xf32, #tpu.memory_space<vmem>>, vector<1250x16xf32>
    tpu.vector_store %arg2[%swap3A_71, %swap3A_72], %dot_general3A_70 {strides = array<i32>} : memref<1280x128xf32, #tpu.memory_space<vmem>>, vector<1250x16xf32>,
    %get3A_74 = arith.constant 7 : index
    %get3A_75 = arith.constant 0 : index
    %get3A_76 = tpu.strided_load %arg0[%get3A_74, %get3A_75] {strides = array<i32: 8, 1>} : memref<10000x128xf32, #tpu.memory_space<vmem>>, vector<1250x128xf32>
    %get3A_77 = arith.constant 0 : index
    %get3A_78 = arith.constant 0 : index
    %get3A_79 = vector.load %arg1[%get3A_77, %get3A_78] : memref<128x16xf32, #tpu.memory_space<vmem>>, vector<128x16xf32>
    %dot_general3A_80 = arith.constant dense<0.000000e+00> : vector<1250x16xf32>
    %dot_general3A_81 = tpu.matmul %get3A_76, %get3A_79, %dot_general3A_80 {dimension_numbers = #tpu.dot_dimension_numbers<[1], [0], [0], [1], [0, 0, 1, 1], [], []>, transpose_lhs_hint = false} : vector<1250x128xf32>, vector<128x16xf32>, vector<1250x16xf32> -> vector<1250x16xf32>
    %swap3A_82 = arith.constant 0 : index
    %swap3A_83 = arith.constant 112 : index
    %swap3A_84 = vector.load %arg2[%swap3A_82, %swap3A_83] : memref<1280x128xf32, #tpu.memory_space<vmem>>, vector<1250x16xf32>
    tpu.vector_store %arg2[%swap3A_82, %swap3A_83], %dot_general3A_81 {strides = array<i32>} : memref<1280x128xf32, #tpu.memory_space<vmem>>, vector<1250x16xf32>,
    %broadcast_in_dim3A = arith.constant 0.000000e+00 : f32
    %broadcast_in_dim3A_85 = vector.broadcast %broadcast_in_dim3A : f32 to vector<30x128xf32>
    %swap3A_86 = arith.constant 1250 : index
    %swap3A_87 = arith.constant 0 : index
    %swap3A_88 = vector.load %arg2[%swap3A_86, %swap3A_87] : memref<1280x128xf32, #tpu.memory_space<vmem>>, vector<30x128xf32>
    tpu.vector_store %arg2[%swap3A_86, %swap3A_87], %broadcast_in_dim3A_85 {strides = array<i32>} : memref<1280x128xf32, #tpu.memory_space<vmem>>, vector<30x128xf32>,
    return
  }
}

module attributes {stable_mosaic.version = 14 : i64} {
  func.func @_mlp_kernel(%arg0: memref<1280x128xf32, #tpu.memory_space<vmem>>, %arg1: memref<1280x128xf32, #tpu.memory_space<vmem>>, %arg2: memref<1280x128xf32, #tpu.memory_space<vmem>>, %arg3: memref<128x128xf32, #tpu.memory_space<vmem>>, %arg4: memref<1x128xf32, #tpu.memory_space<vmem>>, %arg5: memref<1x128xf32, #tpu.memory_space<vmem>>, %arg6: memref<1x1xf32, #tpu.memory_space<vmem>>, %arg7: memref<1250x128xf32, #tpu.memory_space<vmem>>) attributes {dimension_semantics = [], scalar_prefetch = 0 : i64, scratch_operands = 0 : i64, tpu.core_type = #tpu.core_type<tc>} {
    %get3A = arith.constant 0 : index
    %get3A_0 = arith.constant 0 : index
    %get3A_1 = vector.load %arg6[%get3A, %get3A_0] : memref<1x1xf32, #tpu.memory_space<vmem>>, vector<1x1xf32>
    %get3A_2 = vector.extract %get3A_1[0, 0] : f32 from vector<1x1xf32>
    %get3A_3 = arith.constant 0 : index
    %get3A_4 = arith.constant 0 : index
    %get3A_5 = vector.load %arg0[%get3A_3, %get3A_4] : memref<1280x128xf32, #tpu.memory_space<vmem>>, vector<1280x128xf32>
    %mul3A = vector.broadcast %get3A_2 : f32 to vector<1280x128xf32>
    %mul3A_6 = arith.mulf %mul3A, %get3A_5 : vector<1280x128xf32>
    %get3A_7 = arith.constant 0 : index
    %get3A_8 = arith.constant 0 : index
    %get3A_9 = vector.load %arg1[%get3A_7, %get3A_8] : memref<1280x128xf32, #tpu.memory_space<vmem>>, vector<1280x128xf32>
    %get3A_10 = arith.constant 0 : index
    %get3A_11 = arith.constant 0 : index
    %get3A_12 = vector.load %arg2[%get3A_10, %get3A_11] : memref<1280x128xf32, #tpu.memory_space<vmem>>, vector<1280x128xf32>
    %add3A = arith.addf %get3A_9, %get3A_12 : vector<1280x128xf32>
    %add3A_13 = arith.addf %mul3A_6, %add3A : vector<1280x128xf32>
    %get3A_14 = arith.constant 0 : index
    %get3A_15 = arith.constant 0 : index
    %get3A_16 = vector.load %arg4[%get3A_14, %get3A_15] : memref<1x128xf32, #tpu.memory_space<vmem>>, vector<1x128xf32>
    %add3A_17 = vector.broadcast %get3A_16 : vector<1x128xf32> to vector<1280x128xf32>
    %add3A_18 = arith.addf %add3A_13, %add3A_17 : vector<1280x128xf32>
    %slice3A = vector.extract_strided_slice %add3A_18 {offsets = [0, 0], sizes = [1250, 128], strides = [1, 1]} : vector<1280x128xf32> to vector<1250x128xf32>
    %max3A = arith.constant 0.000000e+00 : f32
    %max3A_19 = vector.broadcast %max3A : f32 to vector<1250x128xf32>
    %max3A_20 = arith.maximumf %slice3A, %max3A_19 : vector<1250x128xf32>
    %get3A_21 = arith.constant 0 : index
    %get3A_22 = arith.constant 0 : index
    %get3A_23 = vector.load %arg3[%get3A_21, %get3A_22] : memref<128x128xf32, #tpu.memory_space<vmem>>, vector<128x128xf32>
    %dot_general3A = arith.constant dense<0.000000e+00> : vector<1250x128xf32>
    %dot_general3A_24 = tpu.matmul %max3A_20, %get3A_23, %dot_general3A {dimension_numbers = #tpu.dot_dimension_numbers<[1], [0], [0], [1], [0, 0, 1, 1], [], []>, transpose_lhs_hint = false} : vector<1250x128xf32>, vector<128x128xf32>, vector<1250x128xf32> -> vector<1250x128xf32>
    %get3A_25 = arith.constant 0 : index
    %get3A_26 = arith.constant 0 : index
    %get3A_27 = vector.load %arg5[%get3A_25, %get3A_26] : memref<1x128xf32, #tpu.memory_space<vmem>>, vector<1x128xf32>
    %add3A_28 = vector.broadcast %get3A_27 : vector<1x128xf32> to vector<1250x128xf32>
    %add3A_29 = arith.addf %dot_general3A_24, %add3A_28 : vector<1250x128xf32>
    %max3A_30 = arith.constant 0.000000e+00 : f32
    %max3A_31 = vector.broadcast %max3A_30 : f32 to vector<1250x128xf32>
    %max3A_32 = arith.maximumf %add3A_29, %max3A_31 : vector<1250x128xf32>
    %swap3A = arith.constant 0 : index
    %swap3A_33 = arith.constant 0 : index
    %swap3A_34 = vector.load %arg7[%swap3A, %swap3A_33] : memref<1250x128xf32, #tpu.memory_space<vmem>>, vector<1250x128xf32>
    tpu.vector_store %arg7[%swap3A, %swap3A_33], %max3A_32 {strides = array<i32>} : memref<1250x128xf32, #tpu.memory_space<vmem>>, vector<1250x128xf32>,
    return
  }
}

</mosaic_0001>

<sc_bundles>
// kernel: kernel.5.cloned.1.call-start
scs
__scs_entry_jumppad:
0x0: {  	(pc) =	sbr.rel $0x88, $3  }
0x1: {  	(tag) =	ssettag $0x0;
	lr =	simm.s32 $0x1  }
0x2: {  	[smem:$0x3F9A] =	sst lr;
	_ =	strace $0xD0000000  }
0x3: {  	_ = 	snop  }
0x4: {  	_ = 	snop  }
0x5: {  	_ = 	snop  }
0x6: {  	_ = 	snop  }
0x7: {  	_ = 	snop  }
__scs_overlays_trampoline_lowered:
0x8: {  	[smem:$0x3FA9] =	sst s0  }
0x9: {  	[smem:$0x3FAA] =	sst s1  }
0xa: {  	[smem:$0x3FAB] =	sst s2  }
0xb: {  	[smem:$0x3FAC] =	sst s3  }
0xc: {  	[smem:$0x3FAD] =	sst s4  }
0xd: {  	[smem:$0x3FAE] =	sst s5  }
0xe: {  	[smem:$0x3FAF] =	sst s6  }
0xf: {  	[smem:$0x3FB0] =	sst s7  }
0x10: {  	[smem:$0x3FB1] =	sst s8  }
0x11: {  	[smem:$0x3FB2] =	sst s9;
	s0 =	simm.s32 @!p0 $0x0  }
0x12: {  	s1 =	sld [smem:$0x3F98];
	s0 =	simm.s32 @p0 $0x1  }
0x13: {  	[smem:$0x3FB3] =	sst s0;
	s0 =	simm.s32 @!p1 $0x0  }
0x14: {  	s2 =	sld [smem:$0x3F97];
	s0 =	simm.s32 @p1 $0x1  }
0x15: {  	[smem:$0x3FB4] =	sst s0;
	s0 =	simm.s32 @!p2 $0x0  }
0x16: {  	s3 =	sld [smem:$0x3FDB];
	s0 =	simm.s32 @p2 $0x1  }
0x17: {  	s4 =	simm.s32 $0x1BF5;
	[smem:$0x3FB6] =	sst s0  }
0x18: {  	s0 =	sld [smem:$0x3F99];
	_ =	swait.ge [sflag:s4], $0x0  }
0x19: {  	s7 =	sld [smem:$0x3F9A]  }
0x1a: {  	s8 =	sadd.s32 $0xFFFFE003, lr  }
0x1b: {  	s9 =	sadd.s32 $0xFFFFFEF7, lr;
	s5 =	simm.s32 $0xFFFFFFFF;
	p2 =	slt.u32 s8, $0xFFFFF086  }
0x1c: {  	p1 =	slt.u32 s9, $0xF7A;
	s5 =	simm.s32 @!p2 $0x0  }
0x1d: {  	s5 =	simm.s32 @p1 $0x1;
	p0 =	seq.s32 s7, s2  }
0x1e: {  	s7 =	smul.u32 @!p0 $0xF7A, s2;
	p2 =	seq.s32 @!p0 s5, $0x0  }
0x1f: {  	s9 =	smul.u32 $0xF7A, s1;
	s8 =	simm.s32 @!p0 $0x1BF5;
	p2 =	por !p2, p0  }
0x20: {  	[sflag:s8] =	ssyncset.s32 @!p0 $0xFFFFF086;
	s6 =	sadd.s32 @!p0 s3, s7;
	s7 =	simm.s32 @!p0 $0x108  }
0x21: {  	s3 =	sadd.s32 s3, s9;
	s6 =	sadd.s32 @!p0 $0x88, s6;
	s7 =	simm.s32 @p2 $0x1082  }
0x22: {  	[simem:s7], [sflag:s8] =	dma.local @!p0 [hbm:s6], $0xF7A  }
0x23: {  	s9 =	sor.u32 $0xD0000000, s2;
	s6 =	simm.s32 $0x108;
	_ =	swait.ge @!p0 [sflag:s8], $0x0  }
0x24: {  	s3 =	sadd.s32 $0x88, s3;
	s6 =	simm.s32 @!p1 $0x1082;
	[sflag:s4] =	ssyncset.s32 $0xFFFFF086  }
0x25: {  	[simem:s6], [sflag:s4] =	dma.local [hbm:s3], $0xF7A  }
0x26: {  	[smem:$0x3F9A] =	sst s1;
	(tag) =	ssettag s2;
	_ =	strace s9  }
0x27: {  	s1 =	sld [smem:$0x3FAA]  }
0x28: {  	s2 =	sld [smem:$0x3FAB]  }
0x29: {  	s4 =	sld [smem:$0x3FAD]  }
0x2a: {  	p0 =	seq.s32 s5, $0x0;
	s5 =	sld [smem:$0x3FAE]  }
0x2b: {  	s6 =	sld [smem:$0x3FAF]  }
0x2c: {  	s7 =	sld [smem:$0x3FB0]  }
0x2d: {  	s3 =	simm.s32 $0x108;
	s8 =	sld [smem:$0x3FB1]  }
0x2e: {  	s3 =	simm.s32 @!p0 $0x1082;
	s9 =	sld [smem:$0x3FB2]  }
0x2f: {  	lr =	sadd.s32 s0, s3;
	s0 =	sld [smem:$0x3FA9]  }
0x30: {  	s3 =	sld [smem:$0x3FAC]  }
0x31: {  	[smem:$0x3FB5] =	sst s10  }
0x32: {  	s10 =	sld [smem:$0x3FB3];
	_ =	sdelay $0x3  }
0x33: {  	p0 =	seq.s32 s10, $0x1;
	s10 =	sld [smem:$0x3FB5];
	_ =	sdelay $0x3  }
0x34: {  	[smem:$0x3FB5] =	sst s10  }
0x35: {  	s10 =	sld [smem:$0x3FB4];
	_ =	sdelay $0x3  }
0x36: {  	p1 =	seq.s32 s10, $0x1;
	s10 =	sld [smem:$0x3FB5];
	_ =	sdelay $0x3  }
0x37: {  	[smem:$0x3FB5] =	sst s10  }
0x38: {  	s10 =	sld [smem:$0x3FB6]  }
0x39: {  	_ = 	snop;
	(pc) =	sbr.ind lr, $3  }
0x3a: {  	_ = 	snop  }
0x3b: {  	_ = 	snop  }
0x3c: {  	p2 =	seq.s32 s10, $0x1;
	s10 =	sld [smem:$0x3FB5]  }
0x3d: {  	_ =	shalt  }
0x3e: {  	_ =	shalt  }
0x3f: {  	_ =	shalt  }
0x40: {  	_ =	shalt  }
0x41: {  	_ =	shalt  }
0x42: {  	_ =	shalt  }
0x43: {  	_ =	shalt  }
0x44: {  	_ =	shalt  }
0x45: {  	_ =	shalt  }
0x46: {  	_ =	shalt  }
0x47: {  	_ =	shalt  }
0x48: {  	_ =	shalt  }
0x49: {  	_ =	shalt  }
0x4a: {  	_ =	shalt  }
0x4b: {  	_ =	shalt  }
0x4c: {  	_ =	shalt  }
0x4d: {  	_ =	shalt  }
0x4e: {  	_ =	shalt  }
0x4f: {  	_ =	shalt  }
0x50: {  	_ =	shalt  }
0x51: {  	_ =	shalt  }
0x52: {  	_ =	shalt  }
0x53: {  	_ =	shalt  }
0x54: {  	_ =	shalt  }
0x55: {  	_ =	shalt  }
0x56: {  	_ =	shalt  }
0x57: {  	_ =	shalt  }
0x58: {  	_ =	shalt  }
0x59: {  	_ =	shalt  }
0x5a: {  	_ =	shalt  }
0x5b: {  	_ =	shalt  }
0x5c: {  	_ =	shalt  }
0x5d: {  	_ =	shalt  }
0x5e: {  	_ =	shalt  }
0x5f: {  	_ =	shalt  }
0x60: {  	_ =	shalt  }
0x61: {  	_ =	shalt  }
0x62: {  	_ =	shalt  }
0x63: {  	_ =	shalt  }
0x64: {  	_ =	shalt  }
0x65: {  	_ =	shalt  }
0x66: {  	_ =	shalt  }
0x67: {  	_ =	shalt  }
0x68: {  	_ =	shalt  }
0x69: {  	_ =	shalt  }
0x6a: {  	_ =	shalt  }
0x6b: {  	_ =	shalt  }
0x6c: {  	_ =	shalt  }
0x6d: {  	_ =	shalt  }
0x6e: {  	_ =	shalt  }
0x6f: {  	_ =	shalt  }
0x70: {  	_ =	shalt  }
0x71: {  	_ =	shalt  }
0x72: {  	_ =	shalt  }
0x73: {  	_ =	shalt  }
0x74: {  	_ =	shalt  }
0x75: {  	_ =	shalt  }
0x76: {  	_ =	shalt  }
0x77: {  	_ =	shalt  }
0x78: {  	_ =	shalt  }
0x79: {  	_ =	shalt  }
0x7a: {  	_ =	shalt  }
0x7b: {  	_ =	shalt  }
0x7c: {  	_ =	shalt  }
0x7d: {  	_ =	shalt  }
0x7e: {  	_ =	shalt  }
0x7f: {  	_ =	shalt  }
0x80: {  	_ =	shalt  }
0x81: {  	_ =	shalt  }
0x82: {  	_ =	shalt  }
0x83: {  	_ =	shalt  }
0x84: {  	_ =	shalt  }
0x85: {  	_ =	shalt  }
0x86: {  	_ =	shalt  }
0x87: {  	_ =	shalt  }
.Lfunc_end0:
.L_simem_size_0:
called_computation_lowered:
.L_overlay_start_0:
0x88: {  	s2 =	sld [smem:$0x3FD9]  }
0x89: {  	s3 =	sld [smem:$0x3FFE];
	_ =	sdelay $0x1  }
0x8a: {  	s1 =	srdreg.scid  }
0x8b: {  	s0 =	sand.u32 $0x1, s1  }
0x8c: {  	s17 =	sshll.u32 s0, $0xA;
	s2 =	sadd.s32 s3, s2  }
0x8d: {  	s2 =	sadd.s32 s2, s17  }
0x8e: {  	[smem:$0x3FC1] =	sst s2  }
0x8f: {  	_ = 	snop  }
0x90: {  	s2 =	sld [smem:$0x3FD0];
	(tm) =	ssettm $0x1  }
0x91: {  	s18 =	sld [smem:$0x3FFB];
	_ =	sdelay $0x3  }
0x92: {  	_ =	strace s18  }
0x93: {  	s3 =	sld [smem:$0x3FFC];
	_ =	sdelay $0x3  }
0x94: {  	_ =	strace s3  }
0x95: {  	s3 =	sld [smem:$0x3FFD];
	_ =	sdelay $0x3  }
0x96: {  	_ =	strace s3  }
0x97: {  	_ =	strace $0x8FFFFFFF  }
0x98: {  	s19 =	sld [smem:$0x3FDB];
	_ =	sdelay $0x1  }
0x99: {  	s4 =	simm.s32 $_scs_section_size  }
0x9a: {  	s5 =	simm.s32 $_size__tile_overlayer_lowered;
	s6 =	simm.s32 $_tile_overlayer_lowered  }
0x9b: {  	s22 =	simm.s32 $0x1BFF;
	s21 =	sshll.u32 s6, $0x1;
	s3 =	sadd.s32 s4, s19  }
0x9c: {  	s7 =	simm.s32 $0x0;
	s20 =	sshll.u32 s5, $0x1;
	s5 =	sadd.s32 s21, s3  }
0x9d: {  	[timem:s7], [sflag:s22] =	dma.local [hbm:s5], s20  }
0x9e: {  	_ =	swait.ge [sflag:s22], s20  }
0x9f: {  	s4 =	ssub.s32 $0x0, s20;
	[sflag:s22] =	ssyncset.done $0x0  }
0xa0: {  	[sflag:s22] =	ssyncadd.s32 s4;
	_ =	sdelay $0x1  }
0xa1: {  	s23 =	simm.s32 $0x1B8B  }
0xa2: {  	_ =	swait.ge [sflag:s23], $0x1  }
0xa3: {  	[sflag:s23] =	ssyncset.done $0x0  }
0xa4: {  	s25 =	simm.s32 $0x1B8E;
	s24 =	sld [smem:$0x3FFE];
	[sflag:s23] =	ssyncadd.s32 $0xFFFFFFFF  }
0xa5: {  	s26 =	simm.s32 $execute0_lowered;
	[smem:$0x3FD2] =	sst s25  }
0xa6: {  	s5 =	sshll.u32 s26, $0x1;
	_ =	strace $0x80000046;
	[dreg:$0x1] =	wrdreg $0xFFFFFFFF  }
0xa7: {  	s28 =	simm.s32 $_size_execute0_lowered;
	s3 =	sadd.s32 s3, s5;
	[dreg:$0x0] =	wrdreg $0x0  }
0xa8: {  	s5 =	sshll.u32 s28, $0x1;
	[dreg:$0x2] =	wrdreg s3  }
0xa9: {  	[dreg:$0x3] =	wrdreg s5  }
0xaa: {  	[dreg:$0x4] =	wrdreg $0xC0  }
0xab: {  	_ =	task [dreg:s7], $0x5FFFF  }
0xac: {  	[dreg:$0x1] =	wrdreg $0xFFFFFFFF  }
0xad: {  	[dreg:$0x0] =	wrdreg $0x60  }
0xae: {  	[dreg:$0x2] =	wrdreg s24  }
0xaf: {  	[dreg:$0x3] =	wrdreg s2  }
0xb0: {  	[dreg:$0x4] =	wrdreg $0xB6800  }
0xb1: {  	[dreg:$0x5] =	wrdreg $0x9  }
0xb2: {  	_ =	task.clear_ibuf [dreg:s7], $0x6FFFF;
	_ =	strace $0x90000046  }
0xb3: {  	s29 =	simm.s32 $0x9;
	_ =	strace $0x80000048  }
0xb4: {  	_ =	swait.ge [sflag:s29], $0x1  }
0xb5: {  	[sflag:s29] =	ssyncadd.s32 $0xFFFFFFFF  }
0xb6: {  	_ =	strace $0x90000048  }
0xb7: {  	_ =	sfence  }
0xb8: {  	s30 =	sld [smem:$0x0];
	_ =	sdelay $0x2  }
0xb9: {  	s31 =	sshll.u32 s1, $0xD;
	s1 =	sshrl.u32 s1, $0x2  }
0xba: {  	s3 =	sand.u32 $0x4000, s31;
	s1 =	sadd.s32 s1, s30  }
0xbb: {  	s0 =	sor.u32 s3, s0;
	s1 =	sshll.u32 s1, $0x11  }
0xbc: {  	s0 =	sor.u32 s1, s0  }
0xbd: {  	s0 =	sadd.s32 $0x8F2B, s0  }
0xbe: {  	[sflag:s0] =	ssyncadd.remote.s32 $0x1  }
0xbf: {  	_ =	sfence.sel $0xFFFF  }
0xc0: {  	[dreg:$0x0] =	wrdreg $0xFFFFFFFF;
	(pc) =	sbr.abs _section_cstart, $3  }
0xc1: {  	[dreg:$0x1] =	wrdreg $0xFFFFFFFF  }
0xc2: {  	_ =	task.clear_ibuf [dreg:s7], $0x2FFFF;
	_ =	strace $0x9FFFFFFF  }
0xc3: {  	(tm) =	ssettm $0x7FFFFFFF  }
tec
execute0_lowered:
.L_overlay_start_1:
0x0: {  	(tag) =	ssettag $0x1  }
0x1: {  	s0 =	rddreg [dreg:$0x0];
	s1 =	srdreg.scid  }
0x2: {  	s3 =	rddreg [dreg:$0x2];
	s8 =	stileid.u32  }
0x3: {  	s4 =	simm.s32 $0x0;
	s12 =	simm.s32 $0x8E80;
	s13 =	simm.s32 $0x9  }
0x4: {  	s14 =	simm.s32 $0x1;
	s15 =	simm.s32 $0x2;
	s16 =	simm.s32 $0x7D  }
0x5: {  	s17 =	simm.s32 $0x5000;
	s21 =	simm.s32 $0x5FA0;
	s25 =	simm.s32 $0x6F40  }
0x6: {  	s30 =	simm.s32 $0x7EE0;
	s11 =	simm.s32 $0x7;
	s18 =	simm.s32 $0x8  }
0x7: {  	s19 =	simm.s32 $0x0;
	s1 =	sand.u32 $0x1, s1;
	[smem:$0x7FF] =	sst s4  }
0x8: {  	s5 =	sadd.s32 $0x1800, s0;
	s10 =	smul.u32 $0x2800, s8;
	s2 =	sshll.u32 s1, $0x4  }
0x9: {  	_ =	strace $0x80000047;
	s6 =	ssub.s32 $0x2, s1;
	s2 =	sor.u32 s8, s2  }
0xa: {  	p0 =	seq.s32 s1, $0x1;
	s1 =	simm.s32 $0x1F800;
	s2 =	smul.u32 $0x2800, s2  }
0xb: {  	s7 =	sshrl.u32 s6, $0x1;
	s8 =	sadd.s32 s10, s3;
	s1 =	simm.s32 @!p0 $0x1A800  }
.Ltmp0:
0xc: {  	s9 =	ssub.s32 s6, s7;
	s2 =	sshrl.u32 s2, $0x3;
	(pc) =	sbr.rel .LBB2_1-.Ltmp0, $4  }
0xd: {  	s31 =	sshrl.u32 s10, $0x3;
	s9 =	smax.u32 s9, $0x1;
	s2 =	sadd.s32 s2, s0  }
0xe: {  	s0 =	sadd.s32 s1, s0;
	s1 =	simm.s32 $0x3;
	s29 =	sadd.s32 $0x6800, s2  }
0xf: {  	s2 =	sadd.s32 $0x10800, s2;
	s10 =	sadd.s32 s0, s31;
	[dreg:$0x4] =	wrdreg s29  }
0x10: {  	s0 =	simm.s32 $0x86B0;
	[dreg:$0x5] =	wrdreg s2;
	s2 =	simm.s32 $0x5  }
.LBB2_4:
0x11: {  	_ =	swait.ge [sflag:s18], $0x7D0  }
0x12: {  	[sflag:s18] =	ssyncset.done $0x0  }
0x13: {  	[sflag:s18] =	ssyncadd.s32 $0xFFFFF830  }
0x14: {  	[spmem:s3] =	stream.indirect.scatter.add.f32 [tilespmem:s0], [sflag:$0x9], $0x10, s23, s16, $0xb8;
	[tilespmem:$0xDE80] =	vst v63  }
0x15: {  	_ =	swait.ge [sflag:s13], $0x7D0  }
0x16: {  	[sflag:s13] =	ssyncset.done $0x0  }
0x17: {  	[sflag:s13] =	ssyncadd.s32 $0xFFFFF830  }
0x18: {  	[bflag:$0x0] =	sbarrier.arrive $0xFFFF  }
0x19: {  	[tilespmem:s12], [sflag:$0x9] =	stream.linear.gather [spmem:s8], $0x2800, $0x38;
	[tilespmem:$0xDE80] =	vst v63  }
0x1a: {  	s19 =	sadd.s32 $0x1, s19;
	_ =	swait.ge [sflag:s13], $0x2800  }
0x1b: {  	p0 =	sne.s32 s19, s9;
	[sflag:s13] =	ssyncset.done $0x0  }
.Ltmp1:
0x1c: {  	[sflag:s13] =	ssyncadd.s32 $0xFFFFD800;
	(pc) =	sbr.rel @!p0 .LBB2_5-.Ltmp1, $4  }
0x1d: {  	[hbm4b:s10+s4] =	stream.linear.scatter [tilespmem:s12], [sflag:$0x9], $0x2800, $0x38;
	[tilespmem:$0xDE80] =	vst v63  }
0x1e: {  	_ =	swait.ge [sflag:s13], $0x2800  }
0x1f: {  	[sflag:s13] =	ssyncset.done $0x0  }
0x20: {  	[sflag:s13] =	ssyncadd.s32 $0xFFFFD800  }
.LBB2_1:
0x21: {  	s6 =	rddreg [dreg:$0x4]  }
0x22: {  	[tilespmem:s4], [sflag:$0x1] =	stream.linear.gather [hbm4b:s6+s4], $0x2800, $0x38;
	[tilespmem:$0xDE80] =	vst v63  }
0x23: {  	s26 =	rddreg [dreg:$0x5];
	s7 =	simm.s32 $0x2800  }
0x24: {  	[tilespmem:s7], [sflag:$0x2] =	stream.linear.gather [hbm4b:s26+s4], $0x2800, $0x38;
	[tilespmem:$0xDE80] =	vst v63  }
0x25: {  	s28 =	rddreg [dreg:$0x1]  }
0x26: {  	[tilespmem:s12], [sflag:$0x9] =	stream.linear.gather [hbm4b:s28+s4], $0x2800, $0x38;
	[tilespmem:$0xDE80] =	vst v63  }
0x27: {  	_ =	swait.ge [sflag:s13], $0x2800  }
0x28: {  	[sflag:s13] =	ssyncset.done $0x0  }
0x29: {  	[sflag:s13] =	ssyncadd.s32 $0xFFFFD800  }
0x2a: {  	[spmem:s8] =	stream.linear.scatter [tilespmem:s12], [sflag:$0x9], $0x2800, $0x38;
	[tilespmem:$0xDE80] =	vst v63  }
0x2b: {  	_ =	swait.ge [sflag:s13], $0x2800  }
0x2c: {  	[sflag:s13] =	ssyncset.done $0x0  }
0x2d: {  	[sflag:s13] =	ssyncadd.s32 $0xFFFFD800  }
0x2e: {  	_ =	swait.ge [sflag:s14], $0x2800  }
0x2f: {  	[sflag:s14] =	ssyncset.done $0x0  }
0x30: {  	[sflag:s14] =	ssyncadd.s32 $0xFFFFD800  }
0x31: {  	_ =	swait.ge [sflag:s15], $0x2800  }
0x32: {  	[sflag:s15] =	ssyncset.done $0x0  }
0x33: {  	[sflag:s15] =	ssyncadd.s32 $0xFFFFD800  }
0x34: {  	[tilespmem:s17], [sflag:$0x1] =	stream.indirect.gather [hbm4b:s5+s16], $0x10, s4, s16, $0xb8;
	[tilespmem:$0xDE80] =	vst v63  }
0x35: {  	s29 =	simm.s32 $0x80;
	s31 =	simm.s32 $0x57D0  }
0x36: {  	[tilespmem:s31], [sflag:$0x2] =	stream.indirect.gather [hbm4b:s5+s16], $0x10, s29, s16, $0xb8;
	[tilespmem:$0xDE80] =	vst v63  }
0x37: {  	s20 =	simm.s32 $0x100  }
0x38: {  	[tilespmem:s21], [sflag:$0x3] =	stream.indirect.gather [hbm4b:s5+s16], $0x10, s20, s16, $0xb8;
	[tilespmem:$0xDE80] =	vst v63  }
0x39: {  	s22 =	simm.s32 $0x180;
	s23 =	simm.s32 $0x6770  }
0x3a: {  	[tilespmem:s23], [sflag:$0x4] =	stream.indirect.gather [hbm4b:s5+s16], $0x10, s22, s16, $0xb8;
	[tilespmem:$0xDE80] =	vst v63  }
0x3b: {  	s24 =	simm.s32 $0x200  }
0x3c: {  	[tilespmem:s25], [sflag:$0x5] =	stream.indirect.gather [hbm4b:s5+s16], $0x10, s24, s16, $0xb8;
	[tilespmem:$0xDE80] =	vst v63  }
0x3d: {  	s26 =	simm.s32 $0x280;
	s28 =	simm.s32 $0x7710  }
0x3e: {  	[tilespmem:s28], [sflag:$0x6] =	stream.indirect.gather [hbm4b:s5+s16], $0x10, s26, s16, $0xb8;
	[tilespmem:$0xDE80] =	vst v63  }
0x3f: {  	s29 =	simm.s32 $0x300  }
0x40: {  	[tilespmem:s30], [sflag:$0x7] =	stream.indirect.gather [hbm4b:s5+s16], $0x10, s29, s16, $0xb8;
	[tilespmem:$0xDE80] =	vst v63  }
0x41: {  	s31 =	simm.s32 $0x380  }
0x42: {  	[tilespmem:s0], [sflag:$0x8] =	stream.indirect.gather [hbm4b:s5+s16], $0x10, s31, s16, $0xb8;
	[tilespmem:$0xDE80] =	vst v63  }
0x43: {  	s20 =	simm.s32 $0x0;
	[bflag:$0x0] =	sbarrier.arrive $0xFFFF  }
.LBB2_2:
0x44: {  	_ =	swait.ge [sflag:s14], $0x7D0  }
0x45: {  	s22 =	sshra.s32 s20, $0x2;
	[sflag:s14] =	ssyncset.done $0x0  }
0x46: {  	s23 =	sadd.s32 $0x2800, s22;
	[sflag:s14] =	ssyncadd.s32 $0xFFFFF830  }
0x47: {  	[spmem:s3] =	stream.indirect.scatter.add.f32 [tilespmem:s17], [sflag:$0x9], $0x10, s23, s16, $0xb8;
	[tilespmem:$0xDE80] =	vst v63  }
0x48: {  	_ =	swait.ge [sflag:s13], $0x7D0  }
0x49: {  	p0 =	seq.s32 s20, $0x9000;
	[sflag:s13] =	ssyncset.done $0x0  }
0x4a: {  	s23 =	simm.s32 @p0 $0x2;
	[sflag:s13] =	ssyncadd.s32 $0xFFFFF830  }
0x4b: {  	s26 =	sshra.s32 @p0 s20, $0x2;
	_ =	swait.ge @p0 [sflag:s23], $0x7D0  }
0x4c: {  	s28 =	simm.s32 @p0 $0x7D;
	s24 =	simm.s32 @p0 $0x57D0;
	[sflag:s23] =	ssyncset.done @p0 $0x0  }
0x4d: {  	s29 =	simm.s32 @p0 $0x9;
	[sflag:s23] =	ssyncadd.s32 @p0 $0xFFFFF830;
	s23 =	sadd.s32 @p0 $0x2880, s26  }
0x4e: {  	[spmem:s3] =	stream.indirect.scatter.add.f32 @p0 [tilespmem:s24], [sflag:$0x9], $0x10, s23, s28, $0xb8;
	[tilespmem:$0xDE80] =	vst v63  }
0x4f: {  	_ =	swait.ge @p0 [sflag:s29], $0x7D0  }
0x50: {  	s6 =	simm.s32 @!p0 $0x5000;
	s23 =	sshra.s32 @!p0 s20, $0x2;
	[sflag:s29] =	ssyncset.done @p0 $0x0  }
0x51: {  	s24 =	simm.s32 @!p0 $0x7D;
	s31 =	sadd.s32 @!p0 $0x400, s23;
	[sflag:s29] =	ssyncadd.s32 @p0 $0xFFFFF830  }
0x52: {  	[tilespmem:s6], [sflag:$0x1] =	stream.indirect.gather @!p0 [hbm4b:s5+s24], $0x10, s31, s24, $0xb8;
	[tilespmem:$0xDE80] =	vst v63  }
0x53: {  	s6 =	simm.s32 @!p0 $0x2  }
0x54: {  	_ =	swait.ge @!p0 [sflag:s6], $0x7D0  }
0x55: {  	s7 =	simm.s32 @!p0 $0x57D0;
	[sflag:s6] =	ssyncset.done @!p0 $0x0  }
0x56: {  	s31 =	simm.s32 @!p0 $0x9;
	[sflag:s6] =	ssyncadd.s32 @!p0 $0xFFFFF830;
	s6 =	sadd.s32 @!p0 $0x2880, s23  }
0x57: {  	[spmem:s3] =	stream.indirect.scatter.add.f32 @!p0 [tilespmem:s7], [sflag:$0x9], $0x10, s6, s24, $0xb8;
	[tilespmem:$0xDE80] =	vst v63  }
0x58: {  	_ =	swait.ge @!p0 [sflag:s31], $0x7D0  }
0x59: {  	[sflag:s31] =	ssyncset.done @!p0 $0x0  }
0x5a: {  	s6 =	sadd.s32 @!p0 $0x480, s23;
	[sflag:s31] =	ssyncadd.s32 @!p0 $0xFFFFF830  }
0x5b: {  	[tilespmem:s7], [sflag:$0x2] =	stream.indirect.gather @!p0 [hbm4b:s5+s24], $0x10, s6, s24, $0xb8;
	[tilespmem:$0xDE80] =	vst v63  }
0x5c: {  	_ =	swait.ge [sflag:s1], $0x7D0  }
0x5d: {  	[sflag:s1] =	ssyncset.done $0x0  }
0x5e: {  	s7 =	sadd.s32 $0x2900, s22;
	[sflag:s1] =	ssyncadd.s32 $0xFFFFF830  }
0x5f: {  	[spmem:s3] =	stream.indirect.scatter.add.f32 [tilespmem:s21], [sflag:$0x9], $0x10, s7, s16, $0xb8;
	[tilespmem:$0xDE80] =	vst v63  }
0x60: {  	_ =	swait.ge [sflag:s13], $0x7D0  }
0x61: {  	[sflag:s13] =	ssyncset.done $0x0  }
0x62: {  	s6 =	simm.s32 @p0 $0x4;
	[sflag:s13] =	ssyncadd.s32 $0xFFFFF830  }
0x63: {  	_ =	swait.ge @p0 [sflag:s6], $0x7D0  }
0x64: {  	[sflag:s6] =	ssyncset.done @p0 $0x0  }
0x65: {  	s7 =	simm.s32 @p0 $0x6770;
	[sflag:s6] =	ssyncadd.s32 @p0 $0xFFFFF830;
	s6 =	sadd.s32 @p0 $0x2980, s26  }
0x66: {  	[spmem:s3] =	stream.indirect.scatter.add.f32 @p0 [tilespmem:s7], [sflag:$0x9], $0x10, s6, s28, $0xb8;
	[tilespmem:$0xDE80] =	vst v63  }
0x67: {  	_ =	swait.ge @p0 [sflag:s29], $0x7D0  }
0x68: {  	[sflag:s29] =	ssyncset.done @p0 $0x0  }
0x69: {  	s6 =	sadd.s32 @!p0 $0x500, s23;
	s7 =	simm.s32 @!p0 $0x5FA0;
	[sflag:s29] =	ssyncadd.s32 @p0 $0xFFFFF830  }
0x6a: {  	[tilespmem:s7], [sflag:$0x3] =	stream.indirect.gather @!p0 [hbm4b:s5+s24], $0x10, s6, s24, $0xb8;
	[tilespmem:$0xDE80] =	vst v63  }
0x6b: {  	s6 =	simm.s32 @!p0 $0x4  }
0x6c: {  	_ =	swait.ge @!p0 [sflag:s6], $0x7D0  }
0x6d: {  	[sflag:s6] =	ssyncset.done @!p0 $0x0  }
0x6e: {  	s7 =	simm.s32 @!p0 $0x6770;
	[sflag:s6] =	ssyncadd.s32 @!p0 $0xFFFFF830;
	s6 =	sadd.s32 @!p0 $0x2980, s23  }
0x6f: {  	[spmem:s3] =	stream.indirect.scatter.add.f32 @!p0 [tilespmem:s7], [sflag:$0x9], $0x10, s6, s24, $0xb8;
	[tilespmem:$0xDE80] =	vst v63  }
0x70: {  	_ =	swait.ge @!p0 [sflag:s31], $0x7D0  }
0x71: {  	[sflag:s31] =	ssyncset.done @!p0 $0x0  }
0x72: {  	s6 =	sadd.s32 @!p0 $0x580, s23;
	[sflag:s31] =	ssyncadd.s32 @!p0 $0xFFFFF830  }
0x73: {  	[tilespmem:s7], [sflag:$0x4] =	stream.indirect.gather @!p0 [hbm4b:s5+s24], $0x10, s6, s24, $0xb8;
	[tilespmem:$0xDE80] =	vst v63  }
0x74: {  	_ =	swait.ge [sflag:s2], $0x7D0  }
0x75: {  	[sflag:s2] =	ssyncset.done $0x0  }
0x76: {  	s7 =	sadd.s32 $0x2A00, s22;
	[sflag:s2] =	ssyncadd.s32 $0xFFFFF830  }
0x77: {  	[spmem:s3] =	stream.indirect.scatter.add.f32 [tilespmem:s25], [sflag:$0x9], $0x10, s7, s16, $0xb8;
	[tilespmem:$0xDE80] =	vst v63  }
0x78: {  	_ =	swait.ge [sflag:s13], $0x7D0  }
0x79: {  	[sflag:s13] =	ssyncset.done $0x0  }
0x7a: {  	s6 =	simm.s32 @p0 $0x6;
	[sflag:s13] =	ssyncadd.s32 $0xFFFFF830  }
0x7b: {  	_ =	swait.ge @p0 [sflag:s6], $0x7D0  }
0x7c: {  	[sflag:s6] =	ssyncset.done @p0 $0x0  }
0x7d: {  	s7 =	simm.s32 @p0 $0x7710;
	[sflag:s6] =	ssyncadd.s32 @p0 $0xFFFFF830;
	s6 =	sadd.s32 @p0 $0x2A80, s26  }
0x7e: {  	[spmem:s3] =	stream.indirect.scatter.add.f32 @p0 [tilespmem:s7], [sflag:$0x9], $0x10, s6, s28, $0xb8;
	[tilespmem:$0xDE80] =	vst v63  }
0x7f: {  	_ =	swait.ge @p0 [sflag:s29], $0x7D0  }
0x80: {  	[sflag:s29] =	ssyncset.done @p0 $0x0  }
0x81: {  	s6 =	sadd.s32 @!p0 $0x600, s23;
	s7 =	simm.s32 @!p0 $0x6F40;
	[sflag:s29] =	ssyncadd.s32 @p0 $0xFFFFF830  }
0x82: {  	[tilespmem:s7], [sflag:$0x5] =	stream.indirect.gather @!p0 [hbm4b:s5+s24], $0x10, s6, s24, $0xb8;
	[tilespmem:$0xDE80] =	vst v63  }
0x83: {  	s6 =	simm.s32 @!p0 $0x6  }
0x84: {  	_ =	swait.ge @!p0 [sflag:s6], $0x7D0  }
0x85: {  	[sflag:s6] =	ssyncset.done @!p0 $0x0  }
0x86: {  	s7 =	simm.s32 @!p0 $0x7710;
	[sflag:s6] =	ssyncadd.s32 @!p0 $0xFFFFF830;
	s6 =	sadd.s32 @!p0 $0x2A80, s23  }
0x87: {  	[spmem:s3] =	stream.indirect.scatter.add.f32 @!p0 [tilespmem:s7], [sflag:$0x9], $0x10, s6, s24, $0xb8;
	[tilespmem:$0xDE80] =	vst v63  }
0x88: {  	_ =	swait.ge @!p0 [sflag:s31], $0x7D0  }
0x89: {  	[sflag:s31] =	ssyncset.done @!p0 $0x0  }
0x8a: {  	s6 =	sadd.s32 @!p0 $0x680, s23;
	[sflag:s31] =	ssyncadd.s32 @!p0 $0xFFFFF830  }
0x8b: {  	[tilespmem:s7], [sflag:$0x6] =	stream.indirect.gather @!p0 [hbm4b:s5+s24], $0x10, s6, s24, $0xb8;
	[tilespmem:$0xDE80] =	vst v63  }
0x8c: {  	_ =	swait.ge [sflag:s11], $0x7D0  }
0x8d: {  	[sflag:s11] =	ssyncset.done $0x0  }
.Ltmp2:
0x8e: {  	s31 =	sadd.s32 $0x2B00, s22;
	[sflag:s11] =	ssyncadd.s32 $0xFFFFF830;
	(pc) =	sbr.rel @p0 .LBB2_4-.Ltmp2, $4  }
0x8f: {  	[spmem:s3] =	stream.indirect.scatter.add.f32 [tilespmem:s30], [sflag:$0x9], $0x10, s31, s16, $0xb8;
	[tilespmem:$0xDE80] =	vst v63  }
0x90: {  	_ =	swait.ge [sflag:s13], $0x7D0  }
0x91: {  	[sflag:s13] =	ssyncset.done $0x0  }
0x92: {  	s23 =	sadd.s32 $0x2B80, s22;
	[sflag:s13] =	ssyncadd.s32 $0xFFFFF830  }
0x93: {  	s6 =	sadd.s32 $0x700, s22  }
0x94: {  	[tilespmem:s30], [sflag:$0x7] =	stream.indirect.gather [hbm4b:s5+s16], $0x10, s6, s16, $0xb8;
	[tilespmem:$0xDE80] =	vst v63  }
0x95: {  	_ =	swait.ge [sflag:s18], $0x7D0  }
0x96: {  	[sflag:s18] =	ssyncset.done $0x0  }
0x97: {  	[sflag:s18] =	ssyncadd.s32 $0xFFFFF830  }
0x98: {  	[spmem:s3] =	stream.indirect.scatter.add.f32 [tilespmem:s0], [sflag:$0x9], $0x10, s23, s16, $0xb8;
	[tilespmem:$0xDE80] =	vst v63  }
.Ltmp3:
0x99: {  	_ = 	snop;
	(pc) =	sbr.rel .LBB2_2-.Ltmp3, $4  }
0x9a: {  	_ =	swait.ge [sflag:s13], $0x7D0  }
0x9b: {  	[sflag:s13] =	ssyncset.done $0x0  }
0x9c: {  	s31 =	sadd.s32 $0x780, s22;
	s20 =	sadd.s32 $0x1000, s20;
	[sflag:s13] =	ssyncadd.s32 $0xFFFFF830  }
0x9d: {  	[tilespmem:s0], [sflag:$0x8] =	stream.indirect.gather [hbm4b:s5+s16], $0x10, s31, s16, $0xb8;
	[tilespmem:$0xDE80] =	vst v63  }
.LBB2_5:
0x9e: {  	_ =	sfence.sel $0x180000  }
0x9f: {  	[bflag:$0x0] =	sbarrier.arrive $0xFFFF  }
0xa0: {  	_ =	strace $0x90000047  }
0xa1: {  	s0 =	stileid.u32;
	[bflag:$0x2] =	sbarrier.arrive $0xFFFF  }
0xa2: {  	p0 =	sne.s32 s0, $0x0;
	s0 =	rddreg [dreg:$0x3]  }
0xa3: {  	s0 =	sadd.s32 @!p0 $0x100000, s0  }
0xa4: {  	[sflag:s0] =	ssyncadd.tile.s32 @!p0 $0x1;
	_ =	shalt  }
.Lfunc_end2:
_tile_overlayer_lowered:
.L_overlay_start_2:
0xa5: {  	(tag) =	ssettag $0x2  }
0xa6: {  	s0 =	rddreg [dreg:$0x0];
	s2 =	stileid.u32  }
0xa7: {  	s1 =	rddreg [dreg:$0x1];
	p0 =	sne.s32 s2, $0x0  }
0xa8: {  	s3 =	rddreg [dreg:$0x2];
	[bflag:$0x3] =	sbarrier.arrive $0xFFFF;
	s2 =	simm.s32 @!p0 $0x1C09  }
0xa9: {  	[timem:s3], [sflag:s2] =	dma.local @!p0 [hbm:s0], s1  }
0xaa: {  	s0 =	simm.s32 @!p0 $0x9  }
0xab: {  	_ =	swait.ge @!p0 [sflag:s0], s1  }
0xac: {  	s1 =	ssub.s32 @!p0 $0x0, s1;
	[sflag:s0] =	ssyncset.done @!p0 $0x0  }
0xad: {  	[sflag:s0] =	ssyncadd.s32 @!p0 s1  }
0xae: {  	[bflag:$0x3] =	sbarrier.arrive $0xFFFF  }
0xaf: {  	_ =	shalt  }

</sc_bundles>
